<compile_context>
chip_gen: v7x
topology: tpu7x:2x2x1
jax: 0.10.2.dev20260603
libtpu: 0.0.44.dev20260713+nightly
codegen_flags: <defaults>
</compile_context>

<pallas_src>
import jax
import jax.numpy as jnp
from jax import lax
from jax.experimental import pallas as pl
from jax.experimental.pallas import tpu as pltpu
from jax.experimental.pallas import tpu_sc as plsc

N_NODES = 10000
N_EDGES = 320000
D = 128

NC = 2
NS = 16
NW = NC * NS
EDGES_PER_WORKER = N_EDGES // NW
CHUNK = 80
NCHUNKS = EDGES_PER_WORKER // CHUNK

N_PAD = 10240
ROWS_PER_TILE = N_PAD // NS
STAGE_CHUNKS = ROWS_PER_TILE // CHUNK


def _sc_body(feat_hbm, src_hbm, dst3_hbm, iota3_hbm, zrows_hbm, ones_hbm,
             aggp_hbm, degp_hbm,
             acc_sh, iidx_all, sidx0_v, sidx1_v, didx_all,
             rows0_v, rows1_v, sem0, sem1, sem2, sem3):
    c = lax.axis_index("c")
    s = lax.axis_index("s")
    wid = s * NC + c
    row0 = s * ROWS_PER_TILE
    base = wid * EDGES_PER_WORKER

    pltpu.sync_copy(dst3_hbm.at[wid], didx_all)
    pltpu.sync_copy(iota3_hbm.at[s], iidx_all)

    def zero_own_rows():
        pltpu.sync_copy(zrows_hbm, rows0_v)
        for j in range(STAGE_CHUNKS):
            pltpu.sync_copy(rows0_v, acc_sh.at[iidx_all.at[j]])

    def copy_out(dst_hbm_ref):
        for j in range(STAGE_CHUNKS):
            off = row0 + j * CHUNK
            pltpu.async_copy(acc_sh.at[iidx_all.at[j]], rows0_v, sem0).wait()
            pltpu.sync_copy(rows0_v, dst_hbm_ref.at[c, pl.ds(off, CHUNK)])

    zero_own_rows()
    plsc.subcore_barrier()

    pltpu.sync_copy(src_hbm.at[pl.ds(base, CHUNK)], sidx0_v)
    g0 = pltpu.async_copy(feat_hbm.at[sidx0_v], rows0_v, sem0)

    def p1_body(i, carry):
        g = 2 * i
        off = base + g * CHUNK
        pltpu.sync_copy(src_hbm.at[pl.ds(off + CHUNK, CHUNK)], sidx1_v)
        pltpu.async_copy(feat_hbm.at[sidx1_v], rows1_v, sem1)
        pltpu.make_async_copy(feat_hbm.at[sidx0_v], rows0_v, sem0).wait()
        pltpu.sync_copy(rows0_v, acc_sh.at[didx_all.at[g]], add=True)
        pltpu.sync_copy(src_hbm.at[pl.ds(off + 2 * CHUNK, CHUNK)], sidx0_v)
        pltpu.async_copy(feat_hbm.at[sidx0_v], rows0_v, sem0)
        pltpu.make_async_copy(feat_hbm.at[sidx1_v], rows1_v, sem1).wait()
        pltpu.sync_copy(rows1_v, acc_sh.at[didx_all.at[g + 1]], add=True)
        return carry

    lax.fori_loop(0, (NCHUNKS - 1) // 2, p1_body, 0)
    g0.wait()
    pltpu.sync_copy(rows0_v, acc_sh.at[didx_all.at[NCHUNKS - 1]], add=True)
    plsc.subcore_barrier()
    copy_out(aggp_hbm)

    pltpu.sync_copy(ones_hbm, rows1_v)
    plsc.subcore_barrier()

    def fire(k, sem):
        return pltpu.async_copy(rows1_v, acc_sh.at[didx_all.at[k]], sem,
                                add=True)

    def drain(sem):
        pltpu.make_async_copy(rows1_v, acc_sh.at[didx_all.at[0]], sem).wait()

    fire(0, sem0)
    fire(1, sem1)
    fire(2, sem2)

    def p2_body(i, carry):
        g = 3 + 4 * i
        fire(g, sem3)
        drain(sem0)
        fire(g + 1, sem0)
        drain(sem1)
        fire(g + 2, sem1)
        drain(sem2)
        fire(g + 3, sem2)
        drain(sem3)
        return carry

    lax.fori_loop(0, (NCHUNKS - 5) // 4, p2_body, 0)
    fire(NCHUNKS - 2, sem3)
    drain(sem0)
    fire(NCHUNKS - 1, sem0)
    drain(sem1)
    drain(sem2)
    drain(sem3)
    drain(sem0)
    plsc.subcore_barrier()
    copy_out(degp_hbm)


_sc_segment_sum = pl.kernel(
    _sc_body,
    out_type=(
        jax.ShapeDtypeStruct((NC, N_PAD, D), jnp.float32),
        jax.ShapeDtypeStruct((NC, N_PAD, D), jnp.float32),
    ),
    mesh=plsc.VectorSubcoreMesh(core_axis_name="c", subcore_axis_name="s"),
    scratch_types=[
        pltpu.VMEM_SHARED((N_PAD, D), jnp.float32),
        pltpu.VMEM((STAGE_CHUNKS, CHUNK), jnp.int32),
        pltpu.VMEM((CHUNK,), jnp.int32),
        pltpu.VMEM((CHUNK,), jnp.int32),
        pltpu.VMEM((NCHUNKS, CHUNK), jnp.int32),
        pltpu.VMEM((CHUNK, D), jnp.float32),
        pltpu.VMEM((CHUNK, D), jnp.float32),
        pltpu.SemaphoreType.DMA,
        pltpu.SemaphoreType.DMA,
        pltpu.SemaphoreType.DMA,
        pltpu.SemaphoreType.DMA,
    ],
)


BLK = 1000


def _tc_body(aggp_ref, degp_ref, feat_ref, wt_ref, b_ref, out_ref):
    agg = aggp_ref[0] + aggp_ref[1]
    deg = (degp_ref[0] + degp_ref[1]) - agg
    inv = 1.0 / jnp.maximum(deg[:, 0:1], 1.0)
    h = agg * inv
    w1 = wt_ref[0:D]
    w2 = wt_ref[D:2 * D]
    out_ref[...] = (
        jnp.dot(h, w1, preferred_element_type=jnp.float32)
        + jnp.dot(feat_ref[...], w2, preferred_element_type=jnp.float32)
        + b_ref[...]
    )


_tc_linear = pl.pallas_call(
    _tc_body,
    grid=(N_NODES // BLK,),
    in_specs=[
        pl.BlockSpec((NC, BLK, D), lambda i: (0, i, 0)),
        pl.BlockSpec((NC, BLK, D), lambda i: (0, i, 0)),
        pl.BlockSpec((BLK, D), lambda i: (i, 0)),
        pl.BlockSpec((2 * D, D), lambda i: (0, 0)),
        pl.BlockSpec((1, D), lambda i: (0, 0)),
    ],
    out_specs=pl.BlockSpec((BLK, D), lambda i: (i, 0)),
    out_shape=jax.ShapeDtypeStruct((N_NODES, D), jnp.float32),
)


@jax.jit
def kernel(feat, edge_index, W, b):
    src = edge_index[0]
    dst3 = edge_index[1].reshape(NW, NCHUNKS, CHUNK)
    iota3 = jnp.arange(N_PAD, dtype=jnp.int32).reshape(NS, STAGE_CHUNKS, CHUNK)
    zrows = jnp.zeros((CHUNK, D), jnp.float32)
    ones = jnp.ones((CHUNK, D), jnp.float32)
    aggp, degp = _sc_segment_sum(feat, src, dst3, iota3, zrows, ones)
    wt = W.T
    b2 = b.reshape(1, D)
    return _tc_linear(aggp, degp, feat, wt, b2)

# --- scband reference (transcript-rebuilt; emitter-appended) ---
"""Pipeline reference for scband-layer-70858370449689 (READ-ONLY COPY).

The authoritative reference and input builder live on the scoring server;
editing this copy changes nothing except your own understanding.
"""

import jax, jax.numpy as jnp
import numpy as np

N_NODES = 10000
N_EDGES = 320000
D_IN = 128
D_OUT = 128

def setup_inputs(seed: int = 0) -> dict:
    key = jax.random.key(seed)
    k1, k2, k3, k4 = jax.random.split(key, 4)
    feat = jax.random.normal(k1, (N_NODES, D_IN), dtype=jnp.float32)
    edge_index = jax.random.randint(k2, (2, N_EDGES), 0, N_NODES, dtype=jnp.int32)
    # Linear(in_dim*2 -> out_dim) parameters, PyTorch-style init
    fan_in = D_IN * 2
    bound = 1.0 / np.sqrt(fan_in)
    W = jax.random.uniform(k3, (D_OUT, D_IN * 2), dtype=jnp.float32, minval=-bound, maxval=bound)
    b = jax.random.uniform(k4, (D_OUT,), dtype=jnp.float32, minval=-bound, maxval=bound)
    return {"feat": feat, "edge_index": edge_index, "W": W, "b": b}

def reference(feat, edge_index, W, b):
    src = edge_index[0]
    dst = edge_index[1]
    # copy_u('h','m'): gather source node features onto edges
    msg = jnp.take(feat, src, axis=0)
    # mean('m','h'): scatter-add messages to dst nodes, divide by in-degree
    agg = jax.ops.segment_sum(msg, dst, num_segments=N_NODES)
    deg = jax.ops.segment_sum(jnp.ones((N_EDGES,), dtype=feat.dtype), dst, num_segments=N_NODES)
    h_neigh = agg / jnp.maximum(deg, 1.0)[:, None]
    # Linear(cat([h_neigh, feat]))
    h = jnp.concatenate([h_neigh, feat], axis=-1)
    out = h @ W.T + b
    return out

if __name__ == "__main__":
    import jax
    _d = setup_inputs()
    print(jax.jit(kernel)(*tuple(_d.values())))

</pallas_src>

<mosaic_0001>
#map = affine_map<(d0, d1) -> (0, 0)>
#map1 = affine_map<(d0, d1) -> (0)>
#map2 = affine_map<(d0, d1) -> (0, 0, 0)>
module attributes {stable_mosaic.version = 14 : i64} {
  func.func @_sc_body(%arg0: i32, %arg1: i32, %arg2: memref<10000x128xf32, #tpu.memory_space<hbm>>, %arg3: memref<320000xi32, #tpu.memory_space<hbm>>, %arg4: memref<32x125x80xi32, #tpu.memory_space<hbm>>, %arg5: memref<16x8x80xi32, #tpu.memory_space<hbm>>, %arg6: memref<80x128xf32, #tpu.memory_space<hbm>>, %arg7: memref<80x128xf32, #tpu.memory_space<hbm>>, %arg8: memref<2x10240x128xf32, #tpu.memory_space<hbm>>, %arg9: memref<2x10240x128xf32, #tpu.memory_space<hbm>>, %arg10: memref<10240x128xf32, #tpu.memory_space<vmem_shared>>, %arg11: memref<8x80xi32, #tpu.memory_space<vmem>>, %arg12: memref<80xi32, #tpu.memory_space<vmem>>, %arg13: memref<80xi32, #tpu.memory_space<vmem>>, %arg14: memref<125x80xi32, #tpu.memory_space<vmem>>, %arg15: memref<80x128xf32, #tpu.memory_space<vmem>>, %arg16: memref<80x128xf32, #tpu.memory_space<vmem>>, %arg17: memref<!tpu.dma_semaphore, #tpu.memory_space<semaphore_mem>>, %arg18: memref<!tpu.dma_semaphore, #tpu.memory_space<semaphore_mem>>, %arg19: memref<!tpu.dma_semaphore, #tpu.memory_space<semaphore_mem>>, %arg20: memref<!tpu.dma_semaphore, #tpu.memory_space<semaphore_mem>>) attributes {dimension_semantics = [#tpu.dimension_semantics<core_parallel>, #tpu.dimension_semantics<subcore_parallel>], iteration_bounds = array<i64: 2, 16>, scalar_prefetch = 0 : i64, scratch_operands = 11 : i64, tpu.core_type = #tpu.core_type<sc_vector_subcore>, window_params = [{transform_indices = #map}, {transform_indices = #map1}, {transform_indices = #map2}, {transform_indices = #map2}, {transform_indices = #map}, {transform_indices = #map}, {transform_indices = #map2}, {transform_indices = #map2}]} {
    %mul3A = arith.constant 2 : i32
    %mul3A_0 = arith.muli %arg1, %mul3A : i32
    %add3A = arith.addi %mul3A_0, %arg0 : i32
    %mul3A_1 = arith.constant 640 : i32
    %mul3A_2 = arith.muli %arg1, %mul3A_1 : i32
    %mul3A_3 = arith.constant 10000 : i32
    %mul3A_4 = arith.muli %add3A, %mul3A_3 : i32
    "tpu.region"() ({
      %run_scoped3A_357 = tpu.sem_alloc : memref<!tpu.dma_semaphore, #tpu.memory_space<semaphore_mem>>
      %dma_start3A_358 = arith.constant 0 : i32
      %dma_start3A_359 = arith.constant 0 : i32
      %dma_start3A_360 = tpu.memref_slice %arg4[%add3A, %dma_start3A_358, %dma_start3A_359] : memref<32x125x80xi32, #tpu.memory_space<hbm>> -> memref<1x125x80xi32, #tpu.memory_space<hbm>>
      %dma_start3A_361 = tpu.memref_squeeze %dma_start3A_360 : memref<1x125x80xi32, #tpu.memory_space<hbm>> -> memref<125x80xi32, #tpu.memory_space<hbm>>
      %dma_start3A_362 = arith.constant 0 : i32
      %dma_start3A_363 = arith.constant 0 : i32
      %dma_start3A_364 = tpu.memref_slice %arg4[%add3A, %dma_start3A_362, %dma_start3A_363] : memref<32x125x80xi32, #tpu.memory_space<hbm>> -> memref<1x125x80xi32, #tpu.memory_space<hbm>>
      %dma_start3A_365 = tpu.memref_squeeze %dma_start3A_364 : memref<1x125x80xi32, #tpu.memory_space<hbm>> -> memref<125x80xi32, #tpu.memory_space<hbm>>
      tpu.enqueue_dma source(%dma_start3A_365 : memref<125x80xi32, #tpu.memory_space<hbm>>) target(%arg14 : memref<125x80xi32, #tpu.memory_space<vmem>>) target_semaphore(%run_scoped3A_357 : memref<!tpu.dma_semaphore, #tpu.memory_space<semaphore_mem>>)
      %dma_wait3A_366 = arith.constant 0 : i32
      %dma_wait3A_367 = arith.constant 0 : i32
      %dma_wait3A_368 = tpu.memref_slice %arg4[%add3A, %dma_wait3A_366, %dma_wait3A_367] : memref<32x125x80xi32, #tpu.memory_space<hbm>> -> memref<1x125x80xi32, #tpu.memory_space<hbm>>
      %dma_wait3A_369 = tpu.memref_squeeze %dma_wait3A_368 : memref<1x125x80xi32, #tpu.memory_space<hbm>> -> memref<125x80xi32, #tpu.memory_space<hbm>>
      %dma_wait3A_370 = arith.constant 0 : i32
      %dma_wait3A_371 = arith.constant 0 : i32
      %dma_wait3A_372 = tpu.memref_slice %arg4[%add3A, %dma_wait3A_370, %dma_wait3A_371] : memref<32x125x80xi32, #tpu.memory_space<hbm>> -> memref<1x125x80xi32, #tpu.memory_space<hbm>>
      %dma_wait3A_373 = tpu.memref_squeeze %dma_wait3A_372 : memref<1x125x80xi32, #tpu.memory_space<hbm>> -> memref<125x80xi32, #tpu.memory_space<hbm>>
      tpu.wait_dma2 semaphore(%run_scoped3A_357 : memref<!tpu.dma_semaphore, #tpu.memory_space<semaphore_mem>>) src(%dma_wait3A_373 : memref<125x80xi32, #tpu.memory_space<hbm>>) dst(%arg14 : memref<125x80xi32, #tpu.memory_space<vmem>>)
      tpu.yield
    }) : () -> ()
    "tpu.region"() ({
      %run_scoped3A_357 = tpu.sem_alloc : memref<!tpu.dma_semaphore, #tpu.memory_space<semaphore_mem>>
      %dma_start3A_358 = arith.constant 0 : i32
      %dma_start3A_359 = arith.constant 0 : i32
      %dma_start3A_360 = tpu.memref_slice %arg5[%arg1, %dma_start3A_358, %dma_start3A_359] : memref<16x8x80xi32, #tpu.memory_space<hbm>> -> memref<1x8x80xi32, #tpu.memory_space<hbm>>
      %dma_start3A_361 = tpu.memref_squeeze %dma_start3A_360 : memref<1x8x80xi32, #tpu.memory_space<hbm>> -> memref<8x80xi32, #tpu.memory_space<hbm>>
      %dma_start3A_362 = arith.constant 0 : i32
      %dma_start3A_363 = arith.constant 0 : i32
      %dma_start3A_364 = tpu.memref_slice %arg5[%arg1, %dma_start3A_362, %dma_start3A_363] : memref<16x8x80xi32, #tpu.memory_space<hbm>> -> memref<1x8x80xi32, #tpu.memory_space<hbm>>
      %dma_start3A_365 = tpu.memref_squeeze %dma_start3A_364 : memref<1x8x80xi32, #tpu.memory_space<hbm>> -> memref<8x80xi32, #tpu.memory_space<hbm>>
      tpu.enqueue_dma source(%dma_start3A_365 : memref<8x80xi32, #tpu.memory_space<hbm>>) target(%arg11 : memref<8x80xi32, #tpu.memory_space<vmem>>) target_semaphore(%run_scoped3A_357 : memref<!tpu.dma_semaphore, #tpu.memory_space<semaphore_mem>>)
      %dma_wait3A_366 = arith.constant 0 : i32
      %dma_wait3A_367 = arith.constant 0 : i32
      %dma_wait3A_368 = tpu.memref_slice %arg5[%arg1, %dma_wait3A_366, %dma_wait3A_367] : memref<16x8x80xi32, #tpu.memory_space<hbm>> -> memref<1x8x80xi32, #tpu.memory_space<hbm>>
      %dma_wait3A_369 = tpu.memref_squeeze %dma_wait3A_368 : memref<1x8x80xi32, #tpu.memory_space<hbm>> -> memref<8x80xi32, #tpu.memory_space<hbm>>
      %dma_wait3A_370 = arith.constant 0 : i32
      %dma_wait3A_371 = arith.constant 0 : i32
      %dma_wait3A_372 = tpu.memref_slice %arg5[%arg1, %dma_wait3A_370, %dma_wait3A_371] : memref<16x8x80xi32, #tpu.memory_space<hbm>> -> memref<1x8x80xi32, #tpu.memory_space<hbm>>
      %dma_wait3A_373 = tpu.memref_squeeze %dma_wait3A_372 : memref<1x8x80xi32, #tpu.memory_space<hbm>> -> memref<8x80xi32, #tpu.memory_space<hbm>>
      tpu.wait_dma2 semaphore(%run_scoped3A_357 : memref<!tpu.dma_semaphore, #tpu.memory_space<semaphore_mem>>) src(%dma_wait3A_373 : memref<8x80xi32, #tpu.memory_space<hbm>>) dst(%arg11 : memref<8x80xi32, #tpu.memory_space<vmem>>)
      tpu.yield
    }) : () -> ()
    "tpu.region"() ({
      %run_scoped3A_357 = tpu.sem_alloc : memref<!tpu.dma_semaphore, #tpu.memory_space<semaphore_mem>>
      tpu.enqueue_dma source(%arg6 : memref<80x128xf32, #tpu.memory_space<hbm>>) target(%arg15 : memref<80x128xf32, #tpu.memory_space<vmem>>) target_semaphore(%run_scoped3A_357 : memref<!tpu.dma_semaphore, #tpu.memory_space<semaphore_mem>>)
      tpu.wait_dma2 semaphore(%run_scoped3A_357 : memref<!tpu.dma_semaphore, #tpu.memory_space<semaphore_mem>>) src(%arg6 : memref<80x128xf32, #tpu.memory_space<hbm>>) dst(%arg15 : memref<80x128xf32, #tpu.memory_space<vmem>>)
      tpu.yield
    }) : () -> ()
    %run_scoped3A = arith.constant 0 : i32
    "tpu.region"() ({
      %run_scoped3A_357 = tpu.sem_alloc : memref<!tpu.dma_semaphore, #tpu.memory_space<semaphore_mem>>
      %dma_start3A_358 = arith.constant 0 : i32
      %dma_start3A_359 = tpu.memref_slice %arg11[%run_scoped3A, %dma_start3A_358] : memref<8x80xi32, #tpu.memory_space<vmem>> -> memref<1x80xi32, #tpu.memory_space<vmem>>
      %dma_start3A_360 = tpu.memref_squeeze %dma_start3A_359 : memref<1x80xi32, #tpu.memory_space<vmem>> -> memref<80xi32, #tpu.memory_space<vmem>>
      %dma_start3A_361 = arith.constant 0 : i32
      %dma_start3A_362 = arith.constant 0 : i32
      %dma_start3A_363 = tpu.memref_slice %arg10[%dma_start3A_361, %dma_start3A_362] : memref<10240x128xf32, #tpu.memory_space<vmem_shared>> -> memref<10240x128xf32, #tpu.memory_space<vmem_shared>>
      tpu.enqueue_indirect_dma source(%arg15 : memref<80x128xf32, #tpu.memory_space<vmem>>) target(%dma_start3A_363 : memref<10240x128xf32, #tpu.memory_space<vmem_shared>>) offsets(%dma_start3A_360 : memref<80xi32, #tpu.memory_space<vmem>>) semaphore(%run_scoped3A_357 : memref<!tpu.dma_semaphore, #tpu.memory_space<semaphore_mem>>)
      %dma_wait3A_364 = arith.constant 0 : i32
      %dma_wait3A_365 = tpu.memref_slice %arg11[%run_scoped3A, %dma_wait3A_364] : memref<8x80xi32, #tpu.memory_space<vmem>> -> memref<1x80xi32, #tpu.memory_space<vmem>>
      %dma_wait3A_366 = tpu.memref_squeeze %dma_wait3A_365 : memref<1x80xi32, #tpu.memory_space<vmem>> -> memref<80xi32, #tpu.memory_space<vmem>>
      %dma_wait3A_367 = arith.constant 0 : i32
      %dma_wait3A_368 = arith.constant 0 : i32
      %dma_wait3A_369 = tpu.memref_slice %arg10[%dma_wait3A_367, %dma_wait3A_368] : memref<10240x128xf32, #tpu.memory_space<vmem_shared>> -> memref<10240x128xf32, #tpu.memory_space<vmem_shared>>
      tpu.wait_indirect_dma semaphore(%run_scoped3A_357 : memref<!tpu.dma_semaphore, #tpu.memory_space<semaphore_mem>>) src(%arg15 : memref<80x128xf32, #tpu.memory_space<vmem>>) dst(%dma_wait3A_369 : memref<10240x128xf32, #tpu.memory_space<vmem_shared>>)
      tpu.yield
    }) : () -> ()
    %run_scoped3A_5 = arith.constant 1 : i32
    "tpu.region"() ({
      %run_scoped3A_357 = tpu.sem_alloc : memref<!tpu.dma_semaphore, #tpu.memory_space<semaphore_mem>>
      %dma_start3A_358 = arith.constant 0 : i32
      %dma_start3A_359 = tpu.memref_slice %arg11[%run_scoped3A_5, %dma_start3A_358] : memref<8x80xi32, #tpu.memory_space<vmem>> -> memref<1x80xi32, #tpu.memory_space<vmem>>
      %dma_start3A_360 = tpu.memref_squeeze %dma_start3A_359 : memref<1x80xi32, #tpu.memory_space<vmem>> -> memref<80xi32, #tpu.memory_space<vmem>>
      %dma_start3A_361 = arith.constant 0 : i32
      %dma_start3A_362 = arith.constant 0 : i32
      %dma_start3A_363 = tpu.memref_slice %arg10[%dma_start3A_361, %dma_start3A_362] : memref<10240x128xf32, #tpu.memory_space<vmem_shared>> -> memref<10240x128xf32, #tpu.memory_space<vmem_shared>>
      tpu.enqueue_indirect_dma source(%arg15 : memref<80x128xf32, #tpu.memory_space<vmem>>) target(%dma_start3A_363 : memref<10240x128xf32, #tpu.memory_space<vmem_shared>>) offsets(%dma_start3A_360 : memref<80xi32, #tpu.memory_space<vmem>>) semaphore(%run_scoped3A_357 : memref<!tpu.dma_semaphore, #tpu.memory_space<semaphore_mem>>)
      %dma_wait3A_364 = arith.constant 0 : i32
      %dma_wait3A_365 = tpu.memref_slice %arg11[%run_scoped3A_5, %dma_wait3A_364] : memref<8x80xi32, #tpu.memory_space<vmem>> -> memref<1x80xi32, #tpu.memory_space<vmem>>
      %dma_wait3A_366 = tpu.memref_squeeze %dma_wait3A_365 : memref<1x80xi32, #tpu.memory_space<vmem>> -> memref<80xi32, #tpu.memory_space<vmem>>
      %dma_wait3A_367 = arith.constant 0 : i32
      %dma_wait3A_368 = arith.constant 0 : i32
      %dma_wait3A_369 = tpu.memref_slice %arg10[%dma_wait3A_367, %dma_wait3A_368] : memref<10240x128xf32, #tpu.memory_space<vmem_shared>> -> memref<10240x128xf32, #tpu.memory_space<vmem_shared>>
      tpu.wait_indirect_dma semaphore(%run_scoped3A_357 : memref<!tpu.dma_semaphore, #tpu.memory_space<semaphore_mem>>) src(%arg15 : memref<80x128xf32, #tpu.memory_space<vmem>>) dst(%dma_wait3A_369 : memref<10240x128xf32, #tpu.memory_space<vmem_shared>>)
      tpu.yield
    }) : () -> ()
    %run_scoped3A_6 = arith.constant 2 : i32
    "tpu.region"() ({
      %run_scoped3A_357 = tpu.sem_alloc : memref<!tpu.dma_semaphore, #tpu.memory_space<semaphore_mem>>
      %dma_start3A_358 = arith.constant 0 : i32
      %dma_start3A_359 = tpu.memref_slice %arg11[%run_scoped3A_6, %dma_start3A_358] : memref<8x80xi32, #tpu.memory_space<vmem>> -> memref<1x80xi32, #tpu.memory_space<vmem>>
      %dma_start3A_360 = tpu.memref_squeeze %dma_start3A_359 : memref<1x80xi32, #tpu.memory_space<vmem>> -> memref<80xi32, #tpu.memory_space<vmem>>
      %dma_start3A_361 = arith.constant 0 : i32
      %dma_start3A_362 = arith.constant 0 : i32
      %dma_start3A_363 = tpu.memref_slice %arg10[%dma_start3A_361, %dma_start3A_362] : memref<10240x128xf32, #tpu.memory_space<vmem_shared>> -> memref<10240x128xf32, #tpu.memory_space<vmem_shared>>
      tpu.enqueue_indirect_dma source(%arg15 : memref<80x128xf32, #tpu.memory_space<vmem>>) target(%dma_start3A_363 : memref<10240x128xf32, #tpu.memory_space<vmem_shared>>) offsets(%dma_start3A_360 : memref<80xi32, #tpu.memory_space<vmem>>) semaphore(%run_scoped3A_357 : memref<!tpu.dma_semaphore, #tpu.memory_space<semaphore_mem>>)
      %dma_wait3A_364 = arith.constant 0 : i32
      %dma_wait3A_365 = tpu.memref_slice %arg11[%run_scoped3A_6, %dma_wait3A_364] : memref<8x80xi32, #tpu.memory_space<vmem>> -> memref<1x80xi32, #tpu.memory_space<vmem>>
      %dma_wait3A_366 = tpu.memref_squeeze %dma_wait3A_365 : memref<1x80xi32, #tpu.memory_space<vmem>> -> memref<80xi32, #tpu.memory_space<vmem>>
      %dma_wait3A_367 = arith.constant 0 : i32
      %dma_wait3A_368 = arith.constant 0 : i32
      %dma_wait3A_369 = tpu.memref_slice %arg10[%dma_wait3A_367, %dma_wait3A_368] : memref<10240x128xf32, #tpu.memory_space<vmem_shared>> -> memref<10240x128xf32, #tpu.memory_space<vmem_shared>>
      tpu.wait_indirect_dma semaphore(%run_scoped3A_357 : memref<!tpu.dma_semaphore, #tpu.memory_space<semaphore_mem>>) src(%arg15 : memref<80x128xf32, #tpu.memory_space<vmem>>) dst(%dma_wait3A_369 : memref<10240x128xf32, #tpu.memory_space<vmem_shared>>)
      tpu.yield
    }) : () -> ()
    %run_scoped3A_7 = arith.constant 3 : i32
    "tpu.region"() ({
      %run_scoped3A_357 = tpu.sem_alloc : memref<!tpu.dma_semaphore, #tpu.memory_space<semaphore_mem>>
      %dma_start3A_358 = arith.constant 0 : i32
      %dma_start3A_359 = tpu.memref_slice %arg11[%run_scoped3A_7, %dma_start3A_358] : memref<8x80xi32, #tpu.memory_space<vmem>> -> memref<1x80xi32, #tpu.memory_space<vmem>>
      %dma_start3A_360 = tpu.memref_squeeze %dma_start3A_359 : memref<1x80xi32, #tpu.memory_space<vmem>> -> memref<80xi32, #tpu.memory_space<vmem>>
      %dma_start3A_361 = arith.constant 0 : i32
      %dma_start3A_362 = arith.constant 0 : i32
      %dma_start3A_363 = tpu.memref_slice %arg10[%dma_start3A_361, %dma_start3A_362] : memref<10240x128xf32, #tpu.memory_space<vmem_shared>> -> memref<10240x128xf32, #tpu.memory_space<vmem_shared>>
      tpu.enqueue_indirect_dma source(%arg15 : memref<80x128xf32, #tpu.memory_space<vmem>>) target(%dma_start3A_363 : memref<10240x128xf32, #tpu.memory_space<vmem_shared>>) offsets(%dma_start3A_360 : memref<80xi32, #tpu.memory_space<vmem>>) semaphore(%run_scoped3A_357 : memref<!tpu.dma_semaphore, #tpu.memory_space<semaphore_mem>>)
      %dma_wait3A_364 = arith.constant 0 : i32
      %dma_wait3A_365 = tpu.memref_slice %arg11[%run_scoped3A_7, %dma_wait3A_364] : memref<8x80xi32, #tpu.memory_space<vmem>> -> memref<1x80xi32, #tpu.memory_space<vmem>>
      %dma_wait3A_366 = tpu.memref_squeeze %dma_wait3A_365 : memref<1x80xi32, #tpu.memory_space<vmem>> -> memref<80xi32, #tpu.memory_space<vmem>>
      %dma_wait3A_367 = arith.constant 0 : i32
      %dma_wait3A_368 = arith.constant 0 : i32
      %dma_wait3A_369 = tpu.memref_slice %arg10[%dma_wait3A_367, %dma_wait3A_368] : memref<10240x128xf32, #tpu.memory_space<vmem_shared>> -> memref<10240x128xf32, #tpu.memory_space<vmem_shared>>
      tpu.wait_indirect_dma semaphore(%run_scoped3A_357 : memref<!tpu.dma_semaphore, #tpu.memory_space<semaphore_mem>>) src(%arg15 : memref<80x128xf32, #tpu.memory_space<vmem>>) dst(%dma_wait3A_369 : memref<10240x128xf32, #tpu.memory_space<vmem_shared>>)
      tpu.yield
    }) : () -> ()
    %run_scoped3A_8 = arith.constant 4 : i32
    "tpu.region"() ({
      %run_scoped3A_357 = tpu.sem_alloc : memref<!tpu.dma_semaphore, #tpu.memory_space<semaphore_mem>>
      %dma_start3A_358 = arith.constant 0 : i32
      %dma_start3A_359 = tpu.memref_slice %arg11[%run_scoped3A_8, %dma_start3A_358] : memref<8x80xi32, #tpu.memory_space<vmem>> -> memref<1x80xi32, #tpu.memory_space<vmem>>
      %dma_start3A_360 = tpu.memref_squeeze %dma_start3A_359 : memref<1x80xi32, #tpu.memory_space<vmem>> -> memref<80xi32, #tpu.memory_space<vmem>>
      %dma_start3A_361 = arith.constant 0 : i32
      %dma_start3A_362 = arith.constant 0 : i32
      %dma_start3A_363 = tpu.memref_slice %arg10[%dma_start3A_361, %dma_start3A_362] : memref<10240x128xf32, #tpu.memory_space<vmem_shared>> -> memref<10240x128xf32, #tpu.memory_space<vmem_shared>>
      tpu.enqueue_indirect_dma source(%arg15 : memref<80x128xf32, #tpu.memory_space<vmem>>) target(%dma_start3A_363 : memref<10240x128xf32, #tpu.memory_space<vmem_shared>>) offsets(%dma_start3A_360 : memref<80xi32, #tpu.memory_space<vmem>>) semaphore(%run_scoped3A_357 : memref<!tpu.dma_semaphore, #tpu.memory_space<semaphore_mem>>)
      %dma_wait3A_364 = arith.constant 0 : i32
      %dma_wait3A_365 = tpu.memref_slice %arg11[%run_scoped3A_8, %dma_wait3A_364] : memref<8x80xi32, #tpu.memory_space<vmem>> -> memref<1x80xi32, #tpu.memory_space<vmem>>
      %dma_wait3A_366 = tpu.memref_squeeze %dma_wait3A_365 : memref<1x80xi32, #tpu.memory_space<vmem>> -> memref<80xi32, #tpu.memory_space<vmem>>
      %dma_wait3A_367 = arith.constant 0 : i32
      %dma_wait3A_368 = arith.constant 0 : i32
      %dma_wait3A_369 = tpu.memref_slice %arg10[%dma_wait3A_367, %dma_wait3A_368] : memref<10240x128xf32, #tpu.memory_space<vmem_shared>> -> memref<10240x128xf32, #tpu.memory_space<vmem_shared>>
      tpu.wait_indirect_dma semaphore(%run_scoped3A_357 : memref<!tpu.dma_semaphore, #tpu.memory_space<semaphore_mem>>) src(%arg15 : memref<80x128xf32, #tpu.memory_space<vmem>>) dst(%dma_wait3A_369 : memref<10240x128xf32, #tpu.memory_space<vmem_shared>>)
      tpu.yield
    }) : () -> ()
    %run_scoped3A_9 = arith.constant 5 : i32
    "tpu.region"() ({
      %run_scoped3A_357 = tpu.sem_alloc : memref<!tpu.dma_semaphore, #tpu.memory_space<semaphore_mem>>
      %dma_start3A_358 = arith.constant 0 : i32
      %dma_start3A_359 = tpu.memref_slice %arg11[%run_scoped3A_9, %dma_start3A_358] : memref<8x80xi32, #tpu.memory_space<vmem>> -> memref<1x80xi32, #tpu.memory_space<vmem>>
      %dma_start3A_360 = tpu.memref_squeeze %dma_start3A_359 : memref<1x80xi32, #tpu.memory_space<vmem>> -> memref<80xi32, #tpu.memory_space<vmem>>
      %dma_start3A_361 = arith.constant 0 : i32
      %dma_start3A_362 = arith.constant 0 : i32
      %dma_start3A_363 = tpu.memref_slice %arg10[%dma_start3A_361, %dma_start3A_362] : memref<10240x128xf32, #tpu.memory_space<vmem_shared>> -> memref<10240x128xf32, #tpu.memory_space<vmem_shared>>
      tpu.enqueue_indirect_dma source(%arg15 : memref<80x128xf32, #tpu.memory_space<vmem>>) target(%dma_start3A_363 : memref<10240x128xf32, #tpu.memory_space<vmem_shared>>) offsets(%dma_start3A_360 : memref<80xi32, #tpu.memory_space<vmem>>) semaphore(%run_scoped3A_357 : memref<!tpu.dma_semaphore, #tpu.memory_space<semaphore_mem>>)
      %dma_wait3A_364 = arith.constant 0 : i32
      %dma_wait3A_365 = tpu.memref_slice %arg11[%run_scoped3A_9, %dma_wait3A_364] : memref<8x80xi32, #tpu.memory_space<vmem>> -> memref<1x80xi32, #tpu.memory_space<vmem>>
      %dma_wait3A_366 = tpu.memref_squeeze %dma_wait3A_365 : memref<1x80xi32, #tpu.memory_space<vmem>> -> memref<80xi32, #tpu.memory_space<vmem>>
      %dma_wait3A_367 = arith.constant 0 : i32
      %dma_wait3A_368 = arith.constant 0 : i32
      %dma_wait3A_369 = tpu.memref_slice %arg10[%dma_wait3A_367, %dma_wait3A_368] : memref<10240x128xf32, #tpu.memory_space<vmem_shared>> -> memref<10240x128xf32, #tpu.memory_space<vmem_shared>>
      tpu.wait_indirect_dma semaphore(%run_scoped3A_357 : memref<!tpu.dma_semaphore, #tpu.memory_space<semaphore_mem>>) src(%arg15 : memref<80x128xf32, #tpu.memory_space<vmem>>) dst(%dma_wait3A_369 : memref<10240x128xf32, #tpu.memory_space<vmem_shared>>)
      tpu.yield
    }) : () -> ()
    %run_scoped3A_10 = arith.constant 6 : i32
    "tpu.region"() ({
      %run_scoped3A_357 = tpu.sem_alloc : memref<!tpu.dma_semaphore, #tpu.memory_space<semaphore_mem>>
      %dma_start3A_358 = arith.constant 0 : i32
      %dma_start3A_359 = tpu.memref_slice %arg11[%run_scoped3A_10, %dma_start3A_358] : memref<8x80xi32, #tpu.memory_space<vmem>> -> memref<1x80xi32, #tpu.memory_space<vmem>>
      %dma_start3A_360 = tpu.memref_squeeze %dma_start3A_359 : memref<1x80xi32, #tpu.memory_space<vmem>> -> memref<80xi32, #tpu.memory_space<vmem>>
      %dma_start3A_361 = arith.constant 0 : i32
      %dma_start3A_362 = arith.constant 0 : i32
      %dma_start3A_363 = tpu.memref_slice %arg10[%dma_start3A_361, %dma_start3A_362] : memref<10240x128xf32, #tpu.memory_space<vmem_shared>> -> memref<10240x128xf32, #tpu.memory_space<vmem_shared>>
      tpu.enqueue_indirect_dma source(%arg15 : memref<80x128xf32, #tpu.memory_space<vmem>>) target(%dma_start3A_363 : memref<10240x128xf32, #tpu.memory_space<vmem_shared>>) offsets(%dma_start3A_360 : memref<80xi32, #tpu.memory_space<vmem>>) semaphore(%run_scoped3A_357 : memref<!tpu.dma_semaphore, #tpu.memory_space<semaphore_mem>>)
      %dma_wait3A_364 = arith.constant 0 : i32
      %dma_wait3A_365 = tpu.memref_slice %arg11[%run_scoped3A_10, %dma_wait3A_364] : memref<8x80xi32, #tpu.memory_space<vmem>> -> memref<1x80xi32, #tpu.memory_space<vmem>>
      %dma_wait3A_366 = tpu.memref_squeeze %dma_wait3A_365 : memref<1x80xi32, #tpu.memory_space<vmem>> -> memref<80xi32, #tpu.memory_space<vmem>>
      %dma_wait3A_367 = arith.constant 0 : i32
      %dma_wait3A_368 = arith.constant 0 : i32
      %dma_wait3A_369 = tpu.memref_slice %arg10[%dma_wait3A_367, %dma_wait3A_368] : memref<10240x128xf32, #tpu.memory_space<vmem_shared>> -> memref<10240x128xf32, #tpu.memory_space<vmem_shared>>
      tpu.wait_indirect_dma semaphore(%run_scoped3A_357 : memref<!tpu.dma_semaphore, #tpu.memory_space<semaphore_mem>>) src(%arg15 : memref<80x128xf32, #tpu.memory_space<vmem>>) dst(%dma_wait3A_369 : memref<10240x128xf32, #tpu.memory_space<vmem_shared>>)
      tpu.yield
    }) : () -> ()
    %run_scoped3A_11 = arith.constant 7 : i32
    "tpu.region"() ({
      %run_scoped3A_357 = tpu.sem_alloc : memref<!tpu.dma_semaphore, #tpu.memory_space<semaphore_mem>>
      %dma_start3A_358 = arith.constant 0 : i32
      %dma_start3A_359 = tpu.memref_slice %arg11[%run_scoped3A_11, %dma_start3A_358] : memref<8x80xi32, #tpu.memory_space<vmem>> -> memref<1x80xi32, #tpu.memory_space<vmem>>
      %dma_start3A_360 = tpu.memref_squeeze %dma_start3A_359 : memref<1x80xi32, #tpu.memory_space<vmem>> -> memref<80xi32, #tpu.memory_space<vmem>>
      %dma_start3A_361 = arith.constant 0 : i32
      %dma_start3A_362 = arith.constant 0 : i32
      %dma_start3A_363 = tpu.memref_slice %arg10[%dma_start3A_361, %dma_start3A_362] : memref<10240x128xf32, #tpu.memory_space<vmem_shared>> -> memref<10240x128xf32, #tpu.memory_space<vmem_shared>>
      tpu.enqueue_indirect_dma source(%arg15 : memref<80x128xf32, #tpu.memory_space<vmem>>) target(%dma_start3A_363 : memref<10240x128xf32, #tpu.memory_space<vmem_shared>>) offsets(%dma_start3A_360 : memref<80xi32, #tpu.memory_space<vmem>>) semaphore(%run_scoped3A_357 : memref<!tpu.dma_semaphore, #tpu.memory_space<semaphore_mem>>)
      %dma_wait3A_364 = arith.constant 0 : i32
      %dma_wait3A_365 = tpu.memref_slice %arg11[%run_scoped3A_11, %dma_wait3A_364] : memref<8x80xi32, #tpu.memory_space<vmem>> -> memref<1x80xi32, #tpu.memory_space<vmem>>
      %dma_wait3A_366 = tpu.memref_squeeze %dma_wait3A_365 : memref<1x80xi32, #tpu.memory_space<vmem>> -> memref<80xi32, #tpu.memory_space<vmem>>
      %dma_wait3A_367 = arith.constant 0 : i32
      %dma_wait3A_368 = arith.constant 0 : i32
      %dma_wait3A_369 = tpu.memref_slice %arg10[%dma_wait3A_367, %dma_wait3A_368] : memref<10240x128xf32, #tpu.memory_space<vmem_shared>> -> memref<10240x128xf32, #tpu.memory_space<vmem_shared>>
      tpu.wait_indirect_dma semaphore(%run_scoped3A_357 : memref<!tpu.dma_semaphore, #tpu.memory_space<semaphore_mem>>) src(%arg15 : memref<80x128xf32, #tpu.memory_space<vmem>>) dst(%dma_wait3A_369 : memref<10240x128xf32, #tpu.memory_space<vmem_shared>>)
      tpu.yield
    }) : () -> ()
    %barrier3A = arith.constant 0 : index
    tpu.barrier barrier_id(%barrier3A)
    "tpu.region"() ({
      %run_scoped3A_357 = tpu.sem_alloc : memref<!tpu.dma_semaphore, #tpu.memory_space<semaphore_mem>>
      %dma_start3A_358 = tpu.memref_slice %arg3[%mul3A_4] : memref<320000xi32, #tpu.memory_space<hbm>> -> memref<80xi32, #tpu.memory_space<hbm>>
      %dma_start3A_359 = tpu.memref_slice %arg3[%mul3A_4] : memref<320000xi32, #tpu.memory_space<hbm>> -> memref<80xi32, #tpu.memory_space<hbm>>
      tpu.enqueue_dma source(%dma_start3A_359 : memref<80xi32, #tpu.memory_space<hbm>>) target(%arg12 : memref<80xi32, #tpu.memory_space<vmem>>) target_semaphore(%run_scoped3A_357 : memref<!tpu.dma_semaphore, #tpu.memory_space<semaphore_mem>>)
      %dma_wait3A_360 = tpu.memref_slice %arg3[%mul3A_4] : memref<320000xi32, #tpu.memory_space<hbm>> -> memref<80xi32, #tpu.memory_space<hbm>>
      %dma_wait3A_361 = tpu.memref_slice %arg3[%mul3A_4] : memref<320000xi32, #tpu.memory_space<hbm>> -> memref<80xi32, #tpu.memory_space<hbm>>
      tpu.wait_dma2 semaphore(%run_scoped3A_357 : memref<!tpu.dma_semaphore, #tpu.memory_space<semaphore_mem>>) src(%dma_wait3A_361 : memref<80xi32, #tpu.memory_space<hbm>>) dst(%arg12 : memref<80xi32, #tpu.memory_space<vmem>>)
      tpu.yield
    }) : () -> ()
    %dma_start3A = arith.constant 0 : i32
    %dma_start3A_12 = arith.constant 0 : i32
    %dma_start3A_13 = tpu.memref_slice %arg2[%dma_start3A, %dma_start3A_12] : memref<10000x128xf32, #tpu.memory_space<hbm>> -> memref<10000x128xf32, #tpu.memory_space<hbm>>
    tpu.enqueue_indirect_dma source(%dma_start3A_13 : memref<10000x128xf32, #tpu.memory_space<hbm>>) target(%arg15 : memref<80x128xf32, #tpu.memory_space<vmem>>) offsets(%arg12 : memref<80xi32, #tpu.memory_space<vmem>>) semaphore(%arg17 : memref<!tpu.dma_semaphore, #tpu.memory_space<semaphore_mem>>)
    %scan3A = arith.constant 0 : i32
    %scan3A_14 = arith.constant 0 : i32
    %scan3A_15 = arith.constant 62 : i32
    %scan3A_16 = arith.addi %scan3A_14, %scan3A_15 : i32
    %scan3A_17 = arith.constant 1 : i32
    scf.for %scan3A_357 = %scan3A_14 to %scan3A_16 step %scan3A_17  : i32 {
      %mul3A_358 = arith.constant 2 : i32
      %mul3A_359 = arith.muli %mul3A_358, %scan3A_357 : i32
      %mul3A_360 = arith.constant 80 : i32
      %mul3A_361 = arith.muli %mul3A_359, %mul3A_360 : i32
      %add3A_362 = arith.addi %mul3A_4, %mul3A_361 : i32
      %add3A_363 = arith.constant 80 : i32
      %add3A_364 = arith.addi %add3A_362, %add3A_363 : i32
      "tpu.region"() ({
        %run_scoped3A_381 = tpu.sem_alloc : memref<!tpu.dma_semaphore, #tpu.memory_space<semaphore_mem>>
        %dma_start3A_382 = tpu.memref_slice %arg3[%add3A_364] : memref<320000xi32, #tpu.memory_space<hbm>> -> memref<80xi32, #tpu.memory_space<hbm>>
        %dma_start3A_383 = tpu.memref_slice %arg3[%add3A_364] : memref<320000xi32, #tpu.memory_space<hbm>> -> memref<80xi32, #tpu.memory_space<hbm>>
        tpu.enqueue_dma source(%dma_start3A_383 : memref<80xi32, #tpu.memory_space<hbm>>) target(%arg13 : memref<80xi32, #tpu.memory_space<vmem>>) target_semaphore(%run_scoped3A_381 : memref<!tpu.dma_semaphore, #tpu.memory_space<semaphore_mem>>)
        %dma_wait3A_384 = tpu.memref_slice %arg3[%add3A_364] : memref<320000xi32, #tpu.memory_space<hbm>> -> memref<80xi32, #tpu.memory_space<hbm>>
        %dma_wait3A_385 = tpu.memref_slice %arg3[%add3A_364] : memref<320000xi32, #tpu.memory_space<hbm>> -> memref<80xi32, #tpu.memory_space<hbm>>
        tpu.wait_dma2 semaphore(%run_scoped3A_381 : memref<!tpu.dma_semaphore, #tpu.memory_space<semaphore_mem>>) src(%dma_wait3A_385 : memref<80xi32, #tpu.memory_space<hbm>>) dst(%arg13 : memref<80xi32, #tpu.memory_space<vmem>>)
        tpu.yield
      }) : () -> ()
      %dma_start3A_365 = arith.constant 0 : i32
      %dma_start3A_366 = arith.constant 0 : i32
      %dma_start3A_367 = tpu.memref_slice %arg2[%dma_start3A_365, %dma_start3A_366] : memref<10000x128xf32, #tpu.memory_space<hbm>> -> memref<10000x128xf32, #tpu.memory_space<hbm>>
      tpu.enqueue_indirect_dma source(%dma_start3A_367 : memref<10000x128xf32, #tpu.memory_space<hbm>>) target(%arg16 : memref<80x128xf32, #tpu.memory_space<vmem>>) offsets(%arg13 : memref<80xi32, #tpu.memory_space<vmem>>) semaphore(%arg18 : memref<!tpu.dma_semaphore, #tpu.memory_space<semaphore_mem>>)
      %dma_wait3A_368 = arith.constant 0 : i32
      %dma_wait3A_369 = arith.constant 0 : i32
      %dma_wait3A_370 = tpu.memref_slice %arg2[%dma_wait3A_368, %dma_wait3A_369] : memref<10000x128xf32, #tpu.memory_space<hbm>> -> memref<10000x128xf32, #tpu.memory_space<hbm>>
      tpu.wait_indirect_dma semaphore(%arg17 : memref<!tpu.dma_semaphore, #tpu.memory_space<semaphore_mem>>) src(%dma_wait3A_370 : memref<10000x128xf32, #tpu.memory_space<hbm>>) dst(%arg15 : memref<80x128xf32, #tpu.memory_space<vmem>>)
      "tpu.region"() ({
        %run_scoped3A_381 = tpu.sem_alloc : memref<!tpu.dma_semaphore, #tpu.memory_space<semaphore_mem>>
        %dma_start3A_382 = arith.constant 0 : i32
        %dma_start3A_383 = tpu.memref_slice %arg14[%mul3A_359, %dma_start3A_382] : memref<125x80xi32, #tpu.memory_space<vmem>> -> memref<1x80xi32, #tpu.memory_space<vmem>>
        %dma_start3A_384 = tpu.memref_squeeze %dma_start3A_383 : memref<1x80xi32, #tpu.memory_space<vmem>> -> memref<80xi32, #tpu.memory_space<vmem>>
        %dma_start3A_385 = arith.constant 0 : i32
        %dma_start3A_386 = arith.constant 0 : i32
        %dma_start3A_387 = tpu.memref_slice %arg10[%dma_start3A_385, %dma_start3A_386] : memref<10240x128xf32, #tpu.memory_space<vmem_shared>> -> memref<10240x128xf32, #tpu.memory_space<vmem_shared>>
        tpu.enqueue_indirect_dma source(%arg15 : memref<80x128xf32, #tpu.memory_space<vmem>>) target(%dma_start3A_387 : memref<10240x128xf32, #tpu.memory_space<vmem_shared>>) offsets(%dma_start3A_384 : memref<80xi32, #tpu.memory_space<vmem>>) semaphore(%run_scoped3A_381 : memref<!tpu.dma_semaphore, #tpu.memory_space<semaphore_mem>>) {add = true}
        %dma_wait3A_388 = arith.constant 0 : i32
        %dma_wait3A_389 = tpu.memref_slice %arg14[%mul3A_359, %dma_wait3A_388] : memref<125x80xi32, #tpu.memory_space<vmem>> -> memref<1x80xi32, #tpu.memory_space<vmem>>
        %dma_wait3A_390 = tpu.memref_squeeze %dma_wait3A_389 : memref<1x80xi32, #tpu.memory_space<vmem>> -> memref<80xi32, #tpu.memory_space<vmem>>
        %dma_wait3A_391 = arith.constant 0 : i32
        %dma_wait3A_392 = arith.constant 0 : i32
        %dma_wait3A_393 = tpu.memref_slice %arg10[%dma_wait3A_391, %dma_wait3A_392] : memref<10240x128xf32, #tpu.memory_space<vmem_shared>> -> memref<10240x128xf32, #tpu.memory_space<vmem_shared>>
        tpu.wait_indirect_dma semaphore(%run_scoped3A_381 : memref<!tpu.dma_semaphore, #tpu.memory_space<semaphore_mem>>) src(%arg15 : memref<80x128xf32, #tpu.memory_space<vmem>>) dst(%dma_wait3A_393 : memref<10240x128xf32, #tpu.memory_space<vmem_shared>>)
        tpu.yield
      }) : () -> ()
      %add3A_371 = arith.constant 160 : i32
      %add3A_372 = arith.addi %add3A_362, %add3A_371 : i32
      "tpu.region"() ({
        %run_scoped3A_381 = tpu.sem_alloc : memref<!tpu.dma_semaphore, #tpu.memory_space<semaphore_mem>>
        %dma_start3A_382 = tpu.memref_slice %arg3[%add3A_372] : memref<320000xi32, #tpu.memory_space<hbm>> -> memref<80xi32, #tpu.memory_space<hbm>>
        %dma_start3A_383 = tpu.memref_slice %arg3[%add3A_372] : memref<320000xi32, #tpu.memory_space<hbm>> -> memref<80xi32, #tpu.memory_space<hbm>>
        tpu.enqueue_dma source(%dma_start3A_383 : memref<80xi32, #tpu.memory_space<hbm>>) target(%arg12 : memref<80xi32, #tpu.memory_space<vmem>>) target_semaphore(%run_scoped3A_381 : memref<!tpu.dma_semaphore, #tpu.memory_space<semaphore_mem>>)
        %dma_wait3A_384 = tpu.memref_slice %arg3[%add3A_372] : memref<320000xi32, #tpu.memory_space<hbm>> -> memref<80xi32, #tpu.memory_space<hbm>>
        %dma_wait3A_385 = tpu.memref_slice %arg3[%add3A_372] : memref<320000xi32, #tpu.memory_space<hbm>> -> memref<80xi32, #tpu.memory_space<hbm>>
        tpu.wait_dma2 semaphore(%run_scoped3A_381 : memref<!tpu.dma_semaphore, #tpu.memory_space<semaphore_mem>>) src(%dma_wait3A_385 : memref<80xi32, #tpu.memory_space<hbm>>) dst(%arg12 : memref<80xi32, #tpu.memory_space<vmem>>)
        tpu.yield
      }) : () -> ()
      %dma_start3A_373 = arith.constant 0 : i32
      %dma_start3A_374 = arith.constant 0 : i32
      %dma_start3A_375 = tpu.memref_slice %arg2[%dma_start3A_373, %dma_start3A_374] : memref<10000x128xf32, #tpu.memory_space<hbm>> -> memref<10000x128xf32, #tpu.memory_space<hbm>>
      tpu.enqueue_indirect_dma source(%dma_start3A_375 : memref<10000x128xf32, #tpu.memory_space<hbm>>) target(%arg15 : memref<80x128xf32, #tpu.memory_space<vmem>>) offsets(%arg12 : memref<80xi32, #tpu.memory_space<vmem>>) semaphore(%arg17 : memref<!tpu.dma_semaphore, #tpu.memory_space<semaphore_mem>>)
      %dma_wait3A_376 = arith.constant 0 : i32
      %dma_wait3A_377 = arith.constant 0 : i32
      %dma_wait3A_378 = tpu.memref_slice %arg2[%dma_wait3A_376, %dma_wait3A_377] : memref<10000x128xf32, #tpu.memory_space<hbm>> -> memref<10000x128xf32, #tpu.memory_space<hbm>>
      tpu.wait_indirect_dma semaphore(%arg18 : memref<!tpu.dma_semaphore, #tpu.memory_space<semaphore_mem>>) src(%dma_wait3A_378 : memref<10000x128xf32, #tpu.memory_space<hbm>>) dst(%arg16 : memref<80x128xf32, #tpu.memory_space<vmem>>)
      %add3A_379 = arith.constant 1 : i32
      %add3A_380 = arith.addi %mul3A_359, %add3A_379 : i32
      "tpu.region"() ({
        %run_scoped3A_381 = tpu.sem_alloc : memref<!tpu.dma_semaphore, #tpu.memory_space<semaphore_mem>>
        %dma_start3A_382 = arith.constant 0 : i32
        %dma_start3A_383 = tpu.memref_slice %arg14[%add3A_380, %dma_start3A_382] : memref<125x80xi32, #tpu.memory_space<vmem>> -> memref<1x80xi32, #tpu.memory_space<vmem>>
        %dma_start3A_384 = tpu.memref_squeeze %dma_start3A_383 : memref<1x80xi32, #tpu.memory_space<vmem>> -> memref<80xi32, #tpu.memory_space<vmem>>
        %dma_start3A_385 = arith.constant 0 : i32
        %dma_start3A_386 = arith.constant 0 : i32
        %dma_start3A_387 = tpu.memref_slice %arg10[%dma_start3A_385, %dma_start3A_386] : memref<10240x128xf32, #tpu.memory_space<vmem_shared>> -> memref<10240x128xf32, #tpu.memory_space<vmem_shared>>
        tpu.enqueue_indirect_dma source(%arg16 : memref<80x128xf32, #tpu.memory_space<vmem>>) target(%dma_start3A_387 : memref<10240x128xf32, #tpu.memory_space<vmem_shared>>) offsets(%dma_start3A_384 : memref<80xi32, #tpu.memory_space<vmem>>) semaphore(%run_scoped3A_381 : memref<!tpu.dma_semaphore, #tpu.memory_space<semaphore_mem>>) {add = true}
        %dma_wait3A_388 = arith.constant 0 : i32
        %dma_wait3A_389 = tpu.memref_slice %arg14[%add3A_380, %dma_wait3A_388] : memref<125x80xi32, #tpu.memory_space<vmem>> -> memref<1x80xi32, #tpu.memory_space<vmem>>
        %dma_wait3A_390 = tpu.memref_squeeze %dma_wait3A_389 : memref<1x80xi32, #tpu.memory_space<vmem>> -> memref<80xi32, #tpu.memory_space<vmem>>
        %dma_wait3A_391 = arith.constant 0 : i32
        %dma_wait3A_392 = arith.constant 0 : i32
        %dma_wait3A_393 = tpu.memref_slice %arg10[%dma_wait3A_391, %dma_wait3A_392] : memref<10240x128xf32, #tpu.memory_space<vmem_shared>> -> memref<10240x128xf32, #tpu.memory_space<vmem_shared>>
        tpu.wait_indirect_dma semaphore(%run_scoped3A_381 : memref<!tpu.dma_semaphore, #tpu.memory_space<semaphore_mem>>) src(%arg16 : memref<80x128xf32, #tpu.memory_space<vmem>>) dst(%dma_wait3A_393 : memref<10240x128xf32, #tpu.memory_space<vmem_shared>>)
        tpu.yield
      }) : () -> ()
    }
    %scan3A_18 = arith.constant 62 : i32
    %dma_wait3A = arith.constant 0 : i32
    %dma_wait3A_19 = arith.constant 0 : i32
    %dma_wait3A_20 = tpu.memref_slice %arg2[%dma_wait3A, %dma_wait3A_19] : memref<10000x128xf32, #tpu.memory_space<hbm>> -> memref<10000x128xf32, #tpu.memory_space<hbm>>
    tpu.wait_indirect_dma semaphore(%arg17 : memref<!tpu.dma_semaphore, #tpu.memory_space<semaphore_mem>>) src(%dma_wait3A_20 : memref<10000x128xf32, #tpu.memory_space<hbm>>) dst(%arg15 : memref<80x128xf32, #tpu.memory_space<vmem>>)
    %run_scoped3A_21 = arith.constant 124 : i32
    "tpu.region"() ({
      %run_scoped3A_357 = tpu.sem_alloc : memref<!tpu.dma_semaphore, #tpu.memory_space<semaphore_mem>>
      %dma_start3A_358 = arith.constant 0 : i32
      %dma_start3A_359 = tpu.memref_slice %arg14[%run_scoped3A_21, %dma_start3A_358] : memref<125x80xi32, #tpu.memory_space<vmem>> -> memref<1x80xi32, #tpu.memory_space<vmem>>
      %dma_start3A_360 = tpu.memref_squeeze %dma_start3A_359 : memref<1x80xi32, #tpu.memory_space<vmem>> -> memref<80xi32, #tpu.memory_space<vmem>>
      %dma_start3A_361 = arith.constant 0 : i32
      %dma_start3A_362 = arith.constant 0 : i32
      %dma_start3A_363 = tpu.memref_slice %arg10[%dma_start3A_361, %dma_start3A_362] : memref<10240x128xf32, #tpu.memory_space<vmem_shared>> -> memref<10240x128xf32, #tpu.memory_space<vmem_shared>>
      tpu.enqueue_indirect_dma source(%arg15 : memref<80x128xf32, #tpu.memory_space<vmem>>) target(%dma_start3A_363 : memref<10240x128xf32, #tpu.memory_space<vmem_shared>>) offsets(%dma_start3A_360 : memref<80xi32, #tpu.memory_space<vmem>>) semaphore(%run_scoped3A_357 : memref<!tpu.dma_semaphore, #tpu.memory_space<semaphore_mem>>) {add = true}
      %dma_wait3A_364 = arith.constant 0 : i32
      %dma_wait3A_365 = tpu.memref_slice %arg14[%run_scoped3A_21, %dma_wait3A_364] : memref<125x80xi32, #tpu.memory_space<vmem>> -> memref<1x80xi32, #tpu.memory_space<vmem>>
      %dma_wait3A_366 = tpu.memref_squeeze %dma_wait3A_365 : memref<1x80xi32, #tpu.memory_space<vmem>> -> memref<80xi32, #tpu.memory_space<vmem>>
      %dma_wait3A_367 = arith.constant 0 : i32
      %dma_wait3A_368 = arith.constant 0 : i32
      %dma_wait3A_369 = tpu.memref_slice %arg10[%dma_wait3A_367, %dma_wait3A_368] : memref<10240x128xf32, #tpu.memory_space<vmem_shared>> -> memref<10240x128xf32, #tpu.memory_space<vmem_shared>>
      tpu.wait_indirect_dma semaphore(%run_scoped3A_357 : memref<!tpu.dma_semaphore, #tpu.memory_space<semaphore_mem>>) src(%arg15 : memref<80x128xf32, #tpu.memory_space<vmem>>) dst(%dma_wait3A_369 : memref<10240x128xf32, #tpu.memory_space<vmem_shared>>)
      tpu.yield
    }) : () -> ()
    %barrier3A_22 = arith.constant 0 : index
    tpu.barrier barrier_id(%barrier3A_22)
    %add3A_23 = arith.constant 0 : i32
    %add3A_24 = arith.addi %mul3A_2, %add3A_23 : i32
    %dma_start3A_25 = arith.constant 0 : i32
    %dma_start3A_26 = arith.constant 0 : i32
    %dma_start3A_27 = tpu.memref_slice %arg11[%dma_start3A_25, %dma_start3A_26] : memref<8x80xi32, #tpu.memory_space<vmem>> -> memref<1x80xi32, #tpu.memory_space<vmem>>
    %dma_start3A_28 = tpu.memref_squeeze %dma_start3A_27 : memref<1x80xi32, #tpu.memory_space<vmem>> -> memref<80xi32, #tpu.memory_space<vmem>>
    %dma_start3A_29 = arith.constant 0 : i32
    %dma_start3A_30 = arith.constant 0 : i32
    %dma_start3A_31 = tpu.memref_slice %arg10[%dma_start3A_29, %dma_start3A_30] : memref<10240x128xf32, #tpu.memory_space<vmem_shared>> -> memref<10240x128xf32, #tpu.memory_space<vmem_shared>>
    tpu.enqueue_indirect_dma source(%dma_start3A_31 : memref<10240x128xf32, #tpu.memory_space<vmem_shared>>) target(%arg15 : memref<80x128xf32, #tpu.memory_space<vmem>>) offsets(%dma_start3A_28 : memref<80xi32, #tpu.memory_space<vmem>>) semaphore(%arg17 : memref<!tpu.dma_semaphore, #tpu.memory_space<semaphore_mem>>)
    %dma_wait3A_32 = arith.constant 0 : i32
    %dma_wait3A_33 = arith.constant 0 : i32
    %dma_wait3A_34 = tpu.memref_slice %arg11[%dma_wait3A_32, %dma_wait3A_33] : memref<8x80xi32, #tpu.memory_space<vmem>> -> memref<1x80xi32, #tpu.memory_space<vmem>>
    %dma_wait3A_35 = tpu.memref_squeeze %dma_wait3A_34 : memref<1x80xi32, #tpu.memory_space<vmem>> -> memref<80xi32, #tpu.memory_space<vmem>>
    %dma_wait3A_36 = arith.constant 0 : i32
    %dma_wait3A_37 = arith.constant 0 : i32
    %dma_wait3A_38 = tpu.memref_slice %arg10[%dma_wait3A_36, %dma_wait3A_37] : memref<10240x128xf32, #tpu.memory_space<vmem_shared>> -> memref<10240x128xf32, #tpu.memory_space<vmem_shared>>
    tpu.wait_indirect_dma semaphore(%arg17 : memref<!tpu.dma_semaphore, #tpu.memory_space<semaphore_mem>>) src(%dma_wait3A_38 : memref<10240x128xf32, #tpu.memory_space<vmem_shared>>) dst(%arg15 : memref<80x128xf32, #tpu.memory_space<vmem>>)
    "tpu.region"() ({
      %run_scoped3A_357 = tpu.sem_alloc : memref<!tpu.dma_semaphore, #tpu.memory_space<semaphore_mem>>
      %dma_start3A_358 = arith.constant 0 : i32
      %dma_start3A_359 = tpu.memref_slice %arg8[%arg0, %add3A_24, %dma_start3A_358] : memref<2x10240x128xf32, #tpu.memory_space<hbm>> -> memref<1x80x128xf32, #tpu.memory_space<hbm>>
      %dma_start3A_360 = tpu.memref_squeeze %dma_start3A_359 : memref<1x80x128xf32, #tpu.memory_space<hbm>> -> memref<80x128xf32, #tpu.memory_space<hbm>>
      %dma_start3A_361 = arith.constant 0 : i32
      %dma_start3A_362 = tpu.memref_slice %arg8[%arg0, %add3A_24, %dma_start3A_361] : memref<2x10240x128xf32, #tpu.memory_space<hbm>> -> memref<1x80x128xf32, #tpu.memory_space<hbm>>
      %dma_start3A_363 = tpu.memref_squeeze %dma_start3A_362 : memref<1x80x128xf32, #tpu.memory_space<hbm>> -> memref<80x128xf32, #tpu.memory_space<hbm>>
      tpu.enqueue_dma source(%arg15 : memref<80x128xf32, #tpu.memory_space<vmem>>) target(%dma_start3A_363 : memref<80x128xf32, #tpu.memory_space<hbm>>) target_semaphore(%run_scoped3A_357 : memref<!tpu.dma_semaphore, #tpu.memory_space<semaphore_mem>>)
      %dma_wait3A_364 = arith.constant 0 : i32
      %dma_wait3A_365 = tpu.memref_slice %arg8[%arg0, %add3A_24, %dma_wait3A_364] : memref<2x10240x128xf32, #tpu.memory_space<hbm>> -> memref<1x80x128xf32, #tpu.memory_space<hbm>>
      %dma_wait3A_366 = tpu.memref_squeeze %dma_wait3A_365 : memref<1x80x128xf32, #tpu.memory_space<hbm>> -> memref<80x128xf32, #tpu.memory_space<hbm>>
      %dma_wait3A_367 = arith.constant 0 : i32
      %dma_wait3A_368 = tpu.memref_slice %arg8[%arg0, %add3A_24, %dma_wait3A_367] : memref<2x10240x128xf32, #tpu.memory_space<hbm>> -> memref<1x80x128xf32, #tpu.memory_space<hbm>>
      %dma_wait3A_369 = tpu.memref_squeeze %dma_wait3A_368 : memref<1x80x128xf32, #tpu.memory_space<hbm>> -> memref<80x128xf32, #tpu.memory_space<hbm>>
      tpu.wait_dma2 semaphore(%run_scoped3A_357 : memref<!tpu.dma_semaphore, #tpu.memory_space<semaphore_mem>>) src(%arg15 : memref<80x128xf32, #tpu.memory_space<vmem>>) dst(%dma_wait3A_369 : memref<80x128xf32, #tpu.memory_space<hbm>>)
      tpu.yield
    }) : () -> ()
    %add3A_39 = arith.constant 80 : i32
    %add3A_40 = arith.addi %mul3A_2, %add3A_39 : i32
    %dma_start3A_41 = arith.constant 1 : i32
    %dma_start3A_42 = arith.constant 0 : i32
    %dma_start3A_43 = tpu.memref_slice %arg11[%dma_start3A_41, %dma_start3A_42] : memref<8x80xi32, #tpu.memory_space<vmem>> -> memref<1x80xi32, #tpu.memory_space<vmem>>
    %dma_start3A_44 = tpu.memref_squeeze %dma_start3A_43 : memref<1x80xi32, #tpu.memory_space<vmem>> -> memref<80xi32, #tpu.memory_space<vmem>>
    %dma_start3A_45 = arith.constant 0 : i32
    %dma_start3A_46 = arith.constant 0 : i32
    %dma_start3A_47 = tpu.memref_slice %arg10[%dma_start3A_45, %dma_start3A_46] : memref<10240x128xf32, #tpu.memory_space<vmem_shared>> -> memref<10240x128xf32, #tpu.memory_space<vmem_shared>>
    tpu.enqueue_indirect_dma source(%dma_start3A_47 : memref<10240x128xf32, #tpu.memory_space<vmem_shared>>) target(%arg15 : memref<80x128xf32, #tpu.memory_space<vmem>>) offsets(%dma_start3A_44 : memref<80xi32, #tpu.memory_space<vmem>>) semaphore(%arg17 : memref<!tpu.dma_semaphore, #tpu.memory_space<semaphore_mem>>)
    %dma_wait3A_48 = arith.constant 1 : i32
    %dma_wait3A_49 = arith.constant 0 : i32
    %dma_wait3A_50 = tpu.memref_slice %arg11[%dma_wait3A_48, %dma_wait3A_49] : memref<8x80xi32, #tpu.memory_space<vmem>> -> memref<1x80xi32, #tpu.memory_space<vmem>>
    %dma_wait3A_51 = tpu.memref_squeeze %dma_wait3A_50 : memref<1x80xi32, #tpu.memory_space<vmem>> -> memref<80xi32, #tpu.memory_space<vmem>>
    %dma_wait3A_52 = arith.constant 0 : i32
    %dma_wait3A_53 = arith.constant 0 : i32
    %dma_wait3A_54 = tpu.memref_slice %arg10[%dma_wait3A_52, %dma_wait3A_53] : memref<10240x128xf32, #tpu.memory_space<vmem_shared>> -> memref<10240x128xf32, #tpu.memory_space<vmem_shared>>
    tpu.wait_indirect_dma semaphore(%arg17 : memref<!tpu.dma_semaphore, #tpu.memory_space<semaphore_mem>>) src(%dma_wait3A_54 : memref<10240x128xf32, #tpu.memory_space<vmem_shared>>) dst(%arg15 : memref<80x128xf32, #tpu.memory_space<vmem>>)
    "tpu.region"() ({
      %run_scoped3A_357 = tpu.sem_alloc : memref<!tpu.dma_semaphore, #tpu.memory_space<semaphore_mem>>
      %dma_start3A_358 = arith.constant 0 : i32
      %dma_start3A_359 = tpu.memref_slice %arg8[%arg0, %add3A_40, %dma_start3A_358] : memref<2x10240x128xf32, #tpu.memory_space<hbm>> -> memref<1x80x128xf32, #tpu.memory_space<hbm>>
      %dma_start3A_360 = tpu.memref_squeeze %dma_start3A_359 : memref<1x80x128xf32, #tpu.memory_space<hbm>> -> memref<80x128xf32, #tpu.memory_space<hbm>>
      %dma_start3A_361 = arith.constant 0 : i32
      %dma_start3A_362 = tpu.memref_slice %arg8[%arg0, %add3A_40, %dma_start3A_361] : memref<2x10240x128xf32, #tpu.memory_space<hbm>> -> memref<1x80x128xf32, #tpu.memory_space<hbm>>
      %dma_start3A_363 = tpu.memref_squeeze %dma_start3A_362 : memref<1x80x128xf32, #tpu.memory_space<hbm>> -> memref<80x128xf32, #tpu.memory_space<hbm>>
      tpu.enqueue_dma source(%arg15 : memref<80x128xf32, #tpu.memory_space<vmem>>) target(%dma_start3A_363 : memref<80x128xf32, #tpu.memory_space<hbm>>) target_semaphore(%run_scoped3A_357 : memref<!tpu.dma_semaphore, #tpu.memory_space<semaphore_mem>>)
      %dma_wait3A_364 = arith.constant 0 : i32
      %dma_wait3A_365 = tpu.memref_slice %arg8[%arg0, %add3A_40, %dma_wait3A_364] : memref<2x10240x128xf32, #tpu.memory_space<hbm>> -> memref<1x80x128xf32, #tpu.memory_space<hbm>>
      %dma_wait3A_366 = tpu.memref_squeeze %dma_wait3A_365 : memref<1x80x128xf32, #tpu.memory_space<hbm>> -> memref<80x128xf32, #tpu.memory_space<hbm>>
      %dma_wait3A_367 = arith.constant 0 : i32
      %dma_wait3A_368 = tpu.memref_slice %arg8[%arg0, %add3A_40, %dma_wait3A_367] : memref<2x10240x128xf32, #tpu.memory_space<hbm>> -> memref<1x80x128xf32, #tpu.memory_space<hbm>>
      %dma_wait3A_369 = tpu.memref_squeeze %dma_wait3A_368 : memref<1x80x128xf32, #tpu.memory_space<hbm>> -> memref<80x128xf32, #tpu.memory_space<hbm>>
      tpu.wait_dma2 semaphore(%run_scoped3A_357 : memref<!tpu.dma_semaphore, #tpu.memory_space<semaphore_mem>>) src(%arg15 : memref<80x128xf32, #tpu.memory_space<vmem>>) dst(%dma_wait3A_369 : memref<80x128xf32, #tpu.memory_space<hbm>>)
      tpu.yield
    }) : () -> ()
    %add3A_55 = arith.constant 160 : i32
    %add3A_56 = arith.addi %mul3A_2, %add3A_55 : i32
    %dma_start3A_57 = arith.constant 2 : i32
    %dma_start3A_58 = arith.constant 0 : i32
    %dma_start3A_59 = tpu.memref_slice %arg11[%dma_start3A_57, %dma_start3A_58] : memref<8x80xi32, #tpu.memory_space<vmem>> -> memref<1x80xi32, #tpu.memory_space<vmem>>
    %dma_start3A_60 = tpu.memref_squeeze %dma_start3A_59 : memref<1x80xi32, #tpu.memory_space<vmem>> -> memref<80xi32, #tpu.memory_space<vmem>>
    %dma_start3A_61 = arith.constant 0 : i32
    %dma_start3A_62 = arith.constant 0 : i32
    %dma_start3A_63 = tpu.memref_slice %arg10[%dma_start3A_61, %dma_start3A_62] : memref<10240x128xf32, #tpu.memory_space<vmem_shared>> -> memref<10240x128xf32, #tpu.memory_space<vmem_shared>>
    tpu.enqueue_indirect_dma source(%dma_start3A_63 : memref<10240x128xf32, #tpu.memory_space<vmem_shared>>) target(%arg15 : memref<80x128xf32, #tpu.memory_space<vmem>>) offsets(%dma_start3A_60 : memref<80xi32, #tpu.memory_space<vmem>>) semaphore(%arg17 : memref<!tpu.dma_semaphore, #tpu.memory_space<semaphore_mem>>)
    %dma_wait3A_64 = arith.constant 2 : i32
    %dma_wait3A_65 = arith.constant 0 : i32
    %dma_wait3A_66 = tpu.memref_slice %arg11[%dma_wait3A_64, %dma_wait3A_65] : memref<8x80xi32, #tpu.memory_space<vmem>> -> memref<1x80xi32, #tpu.memory_space<vmem>>
    %dma_wait3A_67 = tpu.memref_squeeze %dma_wait3A_66 : memref<1x80xi32, #tpu.memory_space<vmem>> -> memref<80xi32, #tpu.memory_space<vmem>>
    %dma_wait3A_68 = arith.constant 0 : i32
    %dma_wait3A_69 = arith.constant 0 : i32
    %dma_wait3A_70 = tpu.memref_slice %arg10[%dma_wait3A_68, %dma_wait3A_69] : memref<10240x128xf32, #tpu.memory_space<vmem_shared>> -> memref<10240x128xf32, #tpu.memory_space<vmem_shared>>
    tpu.wait_indirect_dma semaphore(%arg17 : memref<!tpu.dma_semaphore, #tpu.memory_space<semaphore_mem>>) src(%dma_wait3A_70 : memref<10240x128xf32, #tpu.memory_space<vmem_shared>>) dst(%arg15 : memref<80x128xf32, #tpu.memory_space<vmem>>)
    "tpu.region"() ({
      %run_scoped3A_357 = tpu.sem_alloc : memref<!tpu.dma_semaphore, #tpu.memory_space<semaphore_mem>>
      %dma_start3A_358 = arith.constant 0 : i32
      %dma_start3A_359 = tpu.memref_slice %arg8[%arg0, %add3A_56, %dma_start3A_358] : memref<2x10240x128xf32, #tpu.memory_space<hbm>> -> memref<1x80x128xf32, #tpu.memory_space<hbm>>
      %dma_start3A_360 = tpu.memref_squeeze %dma_start3A_359 : memref<1x80x128xf32, #tpu.memory_space<hbm>> -> memref<80x128xf32, #tpu.memory_space<hbm>>
      %dma_start3A_361 = arith.constant 0 : i32
      %dma_start3A_362 = tpu.memref_slice %arg8[%arg0, %add3A_56, %dma_start3A_361] : memref<2x10240x128xf32, #tpu.memory_space<hbm>> -> memref<1x80x128xf32, #tpu.memory_space<hbm>>
      %dma_start3A_363 = tpu.memref_squeeze %dma_start3A_362 : memref<1x80x128xf32, #tpu.memory_space<hbm>> -> memref<80x128xf32, #tpu.memory_space<hbm>>
      tpu.enqueue_dma source(%arg15 : memref<80x128xf32, #tpu.memory_space<vmem>>) target(%dma_start3A_363 : memref<80x128xf32, #tpu.memory_space<hbm>>) target_semaphore(%run_scoped3A_357 : memref<!tpu.dma_semaphore, #tpu.memory_space<semaphore_mem>>)
      %dma_wait3A_364 = arith.constant 0 : i32
      %dma_wait3A_365 = tpu.memref_slice %arg8[%arg0, %add3A_56, %dma_wait3A_364] : memref<2x10240x128xf32, #tpu.memory_space<hbm>> -> memref<1x80x128xf32, #tpu.memory_space<hbm>>
      %dma_wait3A_366 = tpu.memref_squeeze %dma_wait3A_365 : memref<1x80x128xf32, #tpu.memory_space<hbm>> -> memref<80x128xf32, #tpu.memory_space<hbm>>
      %dma_wait3A_367 = arith.constant 0 : i32
      %dma_wait3A_368 = tpu.memref_slice %arg8[%arg0, %add3A_56, %dma_wait3A_367] : memref<2x10240x128xf32, #tpu.memory_space<hbm>> -> memref<1x80x128xf32, #tpu.memory_space<hbm>>
      %dma_wait3A_369 = tpu.memref_squeeze %dma_wait3A_368 : memref<1x80x128xf32, #tpu.memory_space<hbm>> -> memref<80x128xf32, #tpu.memory_space<hbm>>
      tpu.wait_dma2 semaphore(%run_scoped3A_357 : memref<!tpu.dma_semaphore, #tpu.memory_space<semaphore_mem>>) src(%arg15 : memref<80x128xf32, #tpu.memory_space<vmem>>) dst(%dma_wait3A_369 : memref<80x128xf32, #tpu.memory_space<hbm>>)
      tpu.yield
    }) : () -> ()
    %add3A_71 = arith.constant 240 : i32
    %add3A_72 = arith.addi %mul3A_2, %add3A_71 : i32
    %dma_start3A_73 = arith.constant 3 : i32
    %dma_start3A_74 = arith.constant 0 : i32
    %dma_start3A_75 = tpu.memref_slice %arg11[%dma_start3A_73, %dma_start3A_74] : memref<8x80xi32, #tpu.memory_space<vmem>> -> memref<1x80xi32, #tpu.memory_space<vmem>>
    %dma_start3A_76 = tpu.memref_squeeze %dma_start3A_75 : memref<1x80xi32, #tpu.memory_space<vmem>> -> memref<80xi32, #tpu.memory_space<vmem>>
    %dma_start3A_77 = arith.constant 0 : i32
    %dma_start3A_78 = arith.constant 0 : i32
    %dma_start3A_79 = tpu.memref_slice %arg10[%dma_start3A_77, %dma_start3A_78] : memref<10240x128xf32, #tpu.memory_space<vmem_shared>> -> memref<10240x128xf32, #tpu.memory_space<vmem_shared>>
    tpu.enqueue_indirect_dma source(%dma_start3A_79 : memref<10240x128xf32, #tpu.memory_space<vmem_shared>>) target(%arg15 : memref<80x128xf32, #tpu.memory_space<vmem>>) offsets(%dma_start3A_76 : memref<80xi32, #tpu.memory_space<vmem>>) semaphore(%arg17 : memref<!tpu.dma_semaphore, #tpu.memory_space<semaphore_mem>>)
    %dma_wait3A_80 = arith.constant 3 : i32
    %dma_wait3A_81 = arith.constant 0 : i32
    %dma_wait3A_82 = tpu.memref_slice %arg11[%dma_wait3A_80, %dma_wait3A_81] : memref<8x80xi32, #tpu.memory_space<vmem>> -> memref<1x80xi32, #tpu.memory_space<vmem>>
    %dma_wait3A_83 = tpu.memref_squeeze %dma_wait3A_82 : memref<1x80xi32, #tpu.memory_space<vmem>> -> memref<80xi32, #tpu.memory_space<vmem>>
    %dma_wait3A_84 = arith.constant 0 : i32
    %dma_wait3A_85 = arith.constant 0 : i32
    %dma_wait3A_86 = tpu.memref_slice %arg10[%dma_wait3A_84, %dma_wait3A_85] : memref<10240x128xf32, #tpu.memory_space<vmem_shared>> -> memref<10240x128xf32, #tpu.memory_space<vmem_shared>>
    tpu.wait_indirect_dma semaphore(%arg17 : memref<!tpu.dma_semaphore, #tpu.memory_space<semaphore_mem>>) src(%dma_wait3A_86 : memref<10240x128xf32, #tpu.memory_space<vmem_shared>>) dst(%arg15 : memref<80x128xf32, #tpu.memory_space<vmem>>)
    "tpu.region"() ({
      %run_scoped3A_357 = tpu.sem_alloc : memref<!tpu.dma_semaphore, #tpu.memory_space<semaphore_mem>>
      %dma_start3A_358 = arith.constant 0 : i32
      %dma_start3A_359 = tpu.memref_slice %arg8[%arg0, %add3A_72, %dma_start3A_358] : memref<2x10240x128xf32, #tpu.memory_space<hbm>> -> memref<1x80x128xf32, #tpu.memory_space<hbm>>
      %dma_start3A_360 = tpu.memref_squeeze %dma_start3A_359 : memref<1x80x128xf32, #tpu.memory_space<hbm>> -> memref<80x128xf32, #tpu.memory_space<hbm>>
      %dma_start3A_361 = arith.constant 0 : i32
      %dma_start3A_362 = tpu.memref_slice %arg8[%arg0, %add3A_72, %dma_start3A_361] : memref<2x10240x128xf32, #tpu.memory_space<hbm>> -> memref<1x80x128xf32, #tpu.memory_space<hbm>>
      %dma_start3A_363 = tpu.memref_squeeze %dma_start3A_362 : memref<1x80x128xf32, #tpu.memory_space<hbm>> -> memref<80x128xf32, #tpu.memory_space<hbm>>
      tpu.enqueue_dma source(%arg15 : memref<80x128xf32, #tpu.memory_space<vmem>>) target(%dma_start3A_363 : memref<80x128xf32, #tpu.memory_space<hbm>>) target_semaphore(%run_scoped3A_357 : memref<!tpu.dma_semaphore, #tpu.memory_space<semaphore_mem>>)
      %dma_wait3A_364 = arith.constant 0 : i32
      %dma_wait3A_365 = tpu.memref_slice %arg8[%arg0, %add3A_72, %dma_wait3A_364] : memref<2x10240x128xf32, #tpu.memory_space<hbm>> -> memref<1x80x128xf32, #tpu.memory_space<hbm>>
      %dma_wait3A_366 = tpu.memref_squeeze %dma_wait3A_365 : memref<1x80x128xf32, #tpu.memory_space<hbm>> -> memref<80x128xf32, #tpu.memory_space<hbm>>
      %dma_wait3A_367 = arith.constant 0 : i32
      %dma_wait3A_368 = tpu.memref_slice %arg8[%arg0, %add3A_72, %dma_wait3A_367] : memref<2x10240x128xf32, #tpu.memory_space<hbm>> -> memref<1x80x128xf32, #tpu.memory_space<hbm>>
      %dma_wait3A_369 = tpu.memref_squeeze %dma_wait3A_368 : memref<1x80x128xf32, #tpu.memory_space<hbm>> -> memref<80x128xf32, #tpu.memory_space<hbm>>
      tpu.wait_dma2 semaphore(%run_scoped3A_357 : memref<!tpu.dma_semaphore, #tpu.memory_space<semaphore_mem>>) src(%arg15 : memref<80x128xf32, #tpu.memory_space<vmem>>) dst(%dma_wait3A_369 : memref<80x128xf32, #tpu.memory_space<hbm>>)
      tpu.yield
    }) : () -> ()
    %add3A_87 = arith.constant 320 : i32
    %add3A_88 = arith.addi %mul3A_2, %add3A_87 : i32
    %dma_start3A_89 = arith.constant 4 : i32
    %dma_start3A_90 = arith.constant 0 : i32
    %dma_start3A_91 = tpu.memref_slice %arg11[%dma_start3A_89, %dma_start3A_90] : memref<8x80xi32, #tpu.memory_space<vmem>> -> memref<1x80xi32, #tpu.memory_space<vmem>>
    %dma_start3A_92 = tpu.memref_squeeze %dma_start3A_91 : memref<1x80xi32, #tpu.memory_space<vmem>> -> memref<80xi32, #tpu.memory_space<vmem>>
    %dma_start3A_93 = arith.constant 0 : i32
    %dma_start3A_94 = arith.constant 0 : i32
    %dma_start3A_95 = tpu.memref_slice %arg10[%dma_start3A_93, %dma_start3A_94] : memref<10240x128xf32, #tpu.memory_space<vmem_shared>> -> memref<10240x128xf32, #tpu.memory_space<vmem_shared>>
    tpu.enqueue_indirect_dma source(%dma_start3A_95 : memref<10240x128xf32, #tpu.memory_space<vmem_shared>>) target(%arg15 : memref<80x128xf32, #tpu.memory_space<vmem>>) offsets(%dma_start3A_92 : memref<80xi32, #tpu.memory_space<vmem>>) semaphore(%arg17 : memref<!tpu.dma_semaphore, #tpu.memory_space<semaphore_mem>>)
    %dma_wait3A_96 = arith.constant 4 : i32
    %dma_wait3A_97 = arith.constant 0 : i32
    %dma_wait3A_98 = tpu.memref_slice %arg11[%dma_wait3A_96, %dma_wait3A_97] : memref<8x80xi32, #tpu.memory_space<vmem>> -> memref<1x80xi32, #tpu.memory_space<vmem>>
    %dma_wait3A_99 = tpu.memref_squeeze %dma_wait3A_98 : memref<1x80xi32, #tpu.memory_space<vmem>> -> memref<80xi32, #tpu.memory_space<vmem>>
    %dma_wait3A_100 = arith.constant 0 : i32
    %dma_wait3A_101 = arith.constant 0 : i32
    %dma_wait3A_102 = tpu.memref_slice %arg10[%dma_wait3A_100, %dma_wait3A_101] : memref<10240x128xf32, #tpu.memory_space<vmem_shared>> -> memref<10240x128xf32, #tpu.memory_space<vmem_shared>>
    tpu.wait_indirect_dma semaphore(%arg17 : memref<!tpu.dma_semaphore, #tpu.memory_space<semaphore_mem>>) src(%dma_wait3A_102 : memref<10240x128xf32, #tpu.memory_space<vmem_shared>>) dst(%arg15 : memref<80x128xf32, #tpu.memory_space<vmem>>)
    "tpu.region"() ({
      %run_scoped3A_357 = tpu.sem_alloc : memref<!tpu.dma_semaphore, #tpu.memory_space<semaphore_mem>>
      %dma_start3A_358 = arith.constant 0 : i32
      %dma_start3A_359 = tpu.memref_slice %arg8[%arg0, %add3A_88, %dma_start3A_358] : memref<2x10240x128xf32, #tpu.memory_space<hbm>> -> memref<1x80x128xf32, #tpu.memory_space<hbm>>
      %dma_start3A_360 = tpu.memref_squeeze %dma_start3A_359 : memref<1x80x128xf32, #tpu.memory_space<hbm>> -> memref<80x128xf32, #tpu.memory_space<hbm>>
      %dma_start3A_361 = arith.constant 0 : i32
      %dma_start3A_362 = tpu.memref_slice %arg8[%arg0, %add3A_88, %dma_start3A_361] : memref<2x10240x128xf32, #tpu.memory_space<hbm>> -> memref<1x80x128xf32, #tpu.memory_space<hbm>>
      %dma_start3A_363 = tpu.memref_squeeze %dma_start3A_362 : memref<1x80x128xf32, #tpu.memory_space<hbm>> -> memref<80x128xf32, #tpu.memory_space<hbm>>
      tpu.enqueue_dma source(%arg15 : memref<80x128xf32, #tpu.memory_space<vmem>>) target(%dma_start3A_363 : memref<80x128xf32, #tpu.memory_space<hbm>>) target_semaphore(%run_scoped3A_357 : memref<!tpu.dma_semaphore, #tpu.memory_space<semaphore_mem>>)
      %dma_wait3A_364 = arith.constant 0 : i32
      %dma_wait3A_365 = tpu.memref_slice %arg8[%arg0, %add3A_88, %dma_wait3A_364] : memref<2x10240x128xf32, #tpu.memory_space<hbm>> -> memref<1x80x128xf32, #tpu.memory_space<hbm>>
      %dma_wait3A_366 = tpu.memref_squeeze %dma_wait3A_365 : memref<1x80x128xf32, #tpu.memory_space<hbm>> -> memref<80x128xf32, #tpu.memory_space<hbm>>
      %dma_wait3A_367 = arith.constant 0 : i32
      %dma_wait3A_368 = tpu.memref_slice %arg8[%arg0, %add3A_88, %dma_wait3A_367] : memref<2x10240x128xf32, #tpu.memory_space<hbm>> -> memref<1x80x128xf32, #tpu.memory_space<hbm>>
      %dma_wait3A_369 = tpu.memref_squeeze %dma_wait3A_368 : memref<1x80x128xf32, #tpu.memory_space<hbm>> -> memref<80x128xf32, #tpu.memory_space<hbm>>
      tpu.wait_dma2 semaphore(%run_scoped3A_357 : memref<!tpu.dma_semaphore, #tpu.memory_space<semaphore_mem>>) src(%arg15 : memref<80x128xf32, #tpu.memory_space<vmem>>) dst(%dma_wait3A_369 : memref<80x128xf32, #tpu.memory_space<hbm>>)
      tpu.yield
    }) : () -> ()
    %add3A_103 = arith.constant 400 : i32
    %add3A_104 = arith.addi %mul3A_2, %add3A_103 : i32
    %dma_start3A_105 = arith.constant 5 : i32
    %dma_start3A_106 = arith.constant 0 : i32
    %dma_start3A_107 = tpu.memref_slice %arg11[%dma_start3A_105, %dma_start3A_106] : memref<8x80xi32, #tpu.memory_space<vmem>> -> memref<1x80xi32, #tpu.memory_space<vmem>>
    %dma_start3A_108 = tpu.memref_squeeze %dma_start3A_107 : memref<1x80xi32, #tpu.memory_space<vmem>> -> memref<80xi32, #tpu.memory_space<vmem>>
    %dma_start3A_109 = arith.constant 0 : i32
    %dma_start3A_110 = arith.constant 0 : i32
    %dma_start3A_111 = tpu.memref_slice %arg10[%dma_start3A_109, %dma_start3A_110] : memref<10240x128xf32, #tpu.memory_space<vmem_shared>> -> memref<10240x128xf32, #tpu.memory_space<vmem_shared>>
    tpu.enqueue_indirect_dma source(%dma_start3A_111 : memref<10240x128xf32, #tpu.memory_space<vmem_shared>>) target(%arg15 : memref<80x128xf32, #tpu.memory_space<vmem>>) offsets(%dma_start3A_108 : memref<80xi32, #tpu.memory_space<vmem>>) semaphore(%arg17 : memref<!tpu.dma_semaphore, #tpu.memory_space<semaphore_mem>>)
    %dma_wait3A_112 = arith.constant 5 : i32
    %dma_wait3A_113 = arith.constant 0 : i32
    %dma_wait3A_114 = tpu.memref_slice %arg11[%dma_wait3A_112, %dma_wait3A_113] : memref<8x80xi32, #tpu.memory_space<vmem>> -> memref<1x80xi32, #tpu.memory_space<vmem>>
    %dma_wait3A_115 = tpu.memref_squeeze %dma_wait3A_114 : memref<1x80xi32, #tpu.memory_space<vmem>> -> memref<80xi32, #tpu.memory_space<vmem>>
    %dma_wait3A_116 = arith.constant 0 : i32
    %dma_wait3A_117 = arith.constant 0 : i32
    %dma_wait3A_118 = tpu.memref_slice %arg10[%dma_wait3A_116, %dma_wait3A_117] : memref<10240x128xf32, #tpu.memory_space<vmem_shared>> -> memref<10240x128xf32, #tpu.memory_space<vmem_shared>>
    tpu.wait_indirect_dma semaphore(%arg17 : memref<!tpu.dma_semaphore, #tpu.memory_space<semaphore_mem>>) src(%dma_wait3A_118 : memref<10240x128xf32, #tpu.memory_space<vmem_shared>>) dst(%arg15 : memref<80x128xf32, #tpu.memory_space<vmem>>)
    "tpu.region"() ({
      %run_scoped3A_357 = tpu.sem_alloc : memref<!tpu.dma_semaphore, #tpu.memory_space<semaphore_mem>>
      %dma_start3A_358 = arith.constant 0 : i32
      %dma_start3A_359 = tpu.memref_slice %arg8[%arg0, %add3A_104, %dma_start3A_358] : memref<2x10240x128xf32, #tpu.memory_space<hbm>> -> memref<1x80x128xf32, #tpu.memory_space<hbm>>
      %dma_start3A_360 = tpu.memref_squeeze %dma_start3A_359 : memref<1x80x128xf32, #tpu.memory_space<hbm>> -> memref<80x128xf32, #tpu.memory_space<hbm>>
      %dma_start3A_361 = arith.constant 0 : i32
      %dma_start3A_362 = tpu.memref_slice %arg8[%arg0, %add3A_104, %dma_start3A_361] : memref<2x10240x128xf32, #tpu.memory_space<hbm>> -> memref<1x80x128xf32, #tpu.memory_space<hbm>>
      %dma_start3A_363 = tpu.memref_squeeze %dma_start3A_362 : memref<1x80x128xf32, #tpu.memory_space<hbm>> -> memref<80x128xf32, #tpu.memory_space<hbm>>
      tpu.enqueue_dma source(%arg15 : memref<80x128xf32, #tpu.memory_space<vmem>>) target(%dma_start3A_363 : memref<80x128xf32, #tpu.memory_space<hbm>>) target_semaphore(%run_scoped3A_357 : memref<!tpu.dma_semaphore, #tpu.memory_space<semaphore_mem>>)
      %dma_wait3A_364 = arith.constant 0 : i32
      %dma_wait3A_365 = tpu.memref_slice %arg8[%arg0, %add3A_104, %dma_wait3A_364] : memref<2x10240x128xf32, #tpu.memory_space<hbm>> -> memref<1x80x128xf32, #tpu.memory_space<hbm>>
      %dma_wait3A_366 = tpu.memref_squeeze %dma_wait3A_365 : memref<1x80x128xf32, #tpu.memory_space<hbm>> -> memref<80x128xf32, #tpu.memory_space<hbm>>
      %dma_wait3A_367 = arith.constant 0 : i32
      %dma_wait3A_368 = tpu.memref_slice %arg8[%arg0, %add3A_104, %dma_wait3A_367] : memref<2x10240x128xf32, #tpu.memory_space<hbm>> -> memref<1x80x128xf32, #tpu.memory_space<hbm>>
      %dma_wait3A_369 = tpu.memref_squeeze %dma_wait3A_368 : memref<1x80x128xf32, #tpu.memory_space<hbm>> -> memref<80x128xf32, #tpu.memory_space<hbm>>
      tpu.wait_dma2 semaphore(%run_scoped3A_357 : memref<!tpu.dma_semaphore, #tpu.memory_space<semaphore_mem>>) src(%arg15 : memref<80x128xf32, #tpu.memory_space<vmem>>) dst(%dma_wait3A_369 : memref<80x128xf32, #tpu.memory_space<hbm>>)
      tpu.yield
    }) : () -> ()
    %add3A_119 = arith.constant 480 : i32
    %add3A_120 = arith.addi %mul3A_2, %add3A_119 : i32
    %dma_start3A_121 = arith.constant 6 : i32
    %dma_start3A_122 = arith.constant 0 : i32
    %dma_start3A_123 = tpu.memref_slice %arg11[%dma_start3A_121, %dma_start3A_122] : memref<8x80xi32, #tpu.memory_space<vmem>> -> memref<1x80xi32, #tpu.memory_space<vmem>>
    %dma_start3A_124 = tpu.memref_squeeze %dma_start3A_123 : memref<1x80xi32, #tpu.memory_space<vmem>> -> memref<80xi32, #tpu.memory_space<vmem>>
    %dma_start3A_125 = arith.constant 0 : i32
    %dma_start3A_126 = arith.constant 0 : i32
    %dma_start3A_127 = tpu.memref_slice %arg10[%dma_start3A_125, %dma_start3A_126] : memref<10240x128xf32, #tpu.memory_space<vmem_shared>> -> memref<10240x128xf32, #tpu.memory_space<vmem_shared>>
    tpu.enqueue_indirect_dma source(%dma_start3A_127 : memref<10240x128xf32, #tpu.memory_space<vmem_shared>>) target(%arg15 : memref<80x128xf32, #tpu.memory_space<vmem>>) offsets(%dma_start3A_124 : memref<80xi32, #tpu.memory_space<vmem>>) semaphore(%arg17 : memref<!tpu.dma_semaphore, #tpu.memory_space<semaphore_mem>>)
    %dma_wait3A_128 = arith.constant 6 : i32
    %dma_wait3A_129 = arith.constant 0 : i32
    %dma_wait3A_130 = tpu.memref_slice %arg11[%dma_wait3A_128, %dma_wait3A_129] : memref<8x80xi32, #tpu.memory_space<vmem>> -> memref<1x80xi32, #tpu.memory_space<vmem>>
    %dma_wait3A_131 = tpu.memref_squeeze %dma_wait3A_130 : memref<1x80xi32, #tpu.memory_space<vmem>> -> memref<80xi32, #tpu.memory_space<vmem>>
    %dma_wait3A_132 = arith.constant 0 : i32
    %dma_wait3A_133 = arith.constant 0 : i32
    %dma_wait3A_134 = tpu.memref_slice %arg10[%dma_wait3A_132, %dma_wait3A_133] : memref<10240x128xf32, #tpu.memory_space<vmem_shared>> -> memref<10240x128xf32, #tpu.memory_space<vmem_shared>>
    tpu.wait_indirect_dma semaphore(%arg17 : memref<!tpu.dma_semaphore, #tpu.memory_space<semaphore_mem>>) src(%dma_wait3A_134 : memref<10240x128xf32, #tpu.memory_space<vmem_shared>>) dst(%arg15 : memref<80x128xf32, #tpu.memory_space<vmem>>)
    "tpu.region"() ({
      %run_scoped3A_357 = tpu.sem_alloc : memref<!tpu.dma_semaphore, #tpu.memory_space<semaphore_mem>>
      %dma_start3A_358 = arith.constant 0 : i32
      %dma_start3A_359 = tpu.memref_slice %arg8[%arg0, %add3A_120, %dma_start3A_358] : memref<2x10240x128xf32, #tpu.memory_space<hbm>> -> memref<1x80x128xf32, #tpu.memory_space<hbm>>
      %dma_start3A_360 = tpu.memref_squeeze %dma_start3A_359 : memref<1x80x128xf32, #tpu.memory_space<hbm>> -> memref<80x128xf32, #tpu.memory_space<hbm>>
      %dma_start3A_361 = arith.constant 0 : i32
      %dma_start3A_362 = tpu.memref_slice %arg8[%arg0, %add3A_120, %dma_start3A_361] : memref<2x10240x128xf32, #tpu.memory_space<hbm>> -> memref<1x80x128xf32, #tpu.memory_space<hbm>>
      %dma_start3A_363 = tpu.memref_squeeze %dma_start3A_362 : memref<1x80x128xf32, #tpu.memory_space<hbm>> -> memref<80x128xf32, #tpu.memory_space<hbm>>
      tpu.enqueue_dma source(%arg15 : memref<80x128xf32, #tpu.memory_space<vmem>>) target(%dma_start3A_363 : memref<80x128xf32, #tpu.memory_space<hbm>>) target_semaphore(%run_scoped3A_357 : memref<!tpu.dma_semaphore, #tpu.memory_space<semaphore_mem>>)
      %dma_wait3A_364 = arith.constant 0 : i32
      %dma_wait3A_365 = tpu.memref_slice %arg8[%arg0, %add3A_120, %dma_wait3A_364] : memref<2x10240x128xf32, #tpu.memory_space<hbm>> -> memref<1x80x128xf32, #tpu.memory_space<hbm>>
      %dma_wait3A_366 = tpu.memref_squeeze %dma_wait3A_365 : memref<1x80x128xf32, #tpu.memory_space<hbm>> -> memref<80x128xf32, #tpu.memory_space<hbm>>
      %dma_wait3A_367 = arith.constant 0 : i32
      %dma_wait3A_368 = tpu.memref_slice %arg8[%arg0, %add3A_120, %dma_wait3A_367] : memref<2x10240x128xf32, #tpu.memory_space<hbm>> -> memref<1x80x128xf32, #tpu.memory_space<hbm>>
      %dma_wait3A_369 = tpu.memref_squeeze %dma_wait3A_368 : memref<1x80x128xf32, #tpu.memory_space<hbm>> -> memref<80x128xf32, #tpu.memory_space<hbm>>
      tpu.wait_dma2 semaphore(%run_scoped3A_357 : memref<!tpu.dma_semaphore, #tpu.memory_space<semaphore_mem>>) src(%arg15 : memref<80x128xf32, #tpu.memory_space<vmem>>) dst(%dma_wait3A_369 : memref<80x128xf32, #tpu.memory_space<hbm>>)
      tpu.yield
    }) : () -> ()
    %add3A_135 = arith.constant 560 : i32
    %add3A_136 = arith.addi %mul3A_2, %add3A_135 : i32
    %dma_start3A_137 = arith.constant 7 : i32
    %dma_start3A_138 = arith.constant 0 : i32
    %dma_start3A_139 = tpu.memref_slice %arg11[%dma_start3A_137, %dma_start3A_138] : memref<8x80xi32, #tpu.memory_space<vmem>> -> memref<1x80xi32, #tpu.memory_space<vmem>>
    %dma_start3A_140 = tpu.memref_squeeze %dma_start3A_139 : memref<1x80xi32, #tpu.memory_space<vmem>> -> memref<80xi32, #tpu.memory_space<vmem>>
    %dma_start3A_141 = arith.constant 0 : i32
    %dma_start3A_142 = arith.constant 0 : i32
    %dma_start3A_143 = tpu.memref_slice %arg10[%dma_start3A_141, %dma_start3A_142] : memref<10240x128xf32, #tpu.memory_space<vmem_shared>> -> memref<10240x128xf32, #tpu.memory_space<vmem_shared>>
    tpu.enqueue_indirect_dma source(%dma_start3A_143 : memref<10240x128xf32, #tpu.memory_space<vmem_shared>>) target(%arg15 : memref<80x128xf32, #tpu.memory_space<vmem>>) offsets(%dma_start3A_140 : memref<80xi32, #tpu.memory_space<vmem>>) semaphore(%arg17 : memref<!tpu.dma_semaphore, #tpu.memory_space<semaphore_mem>>)
    %dma_wait3A_144 = arith.constant 7 : i32
    %dma_wait3A_145 = arith.constant 0 : i32
    %dma_wait3A_146 = tpu.memref_slice %arg11[%dma_wait3A_144, %dma_wait3A_145] : memref<8x80xi32, #tpu.memory_space<vmem>> -> memref<1x80xi32, #tpu.memory_space<vmem>>
    %dma_wait3A_147 = tpu.memref_squeeze %dma_wait3A_146 : memref<1x80xi32, #tpu.memory_space<vmem>> -> memref<80xi32, #tpu.memory_space<vmem>>
    %dma_wait3A_148 = arith.constant 0 : i32
    %dma_wait3A_149 = arith.constant 0 : i32
    %dma_wait3A_150 = tpu.memref_slice %arg10[%dma_wait3A_148, %dma_wait3A_149] : memref<10240x128xf32, #tpu.memory_space<vmem_shared>> -> memref<10240x128xf32, #tpu.memory_space<vmem_shared>>
    tpu.wait_indirect_dma semaphore(%arg17 : memref<!tpu.dma_semaphore, #tpu.memory_space<semaphore_mem>>) src(%dma_wait3A_150 : memref<10240x128xf32, #tpu.memory_space<vmem_shared>>) dst(%arg15 : memref<80x128xf32, #tpu.memory_space<vmem>>)
    "tpu.region"() ({
      %run_scoped3A_357 = tpu.sem_alloc : memref<!tpu.dma_semaphore, #tpu.memory_space<semaphore_mem>>
      %dma_start3A_358 = arith.constant 0 : i32
      %dma_start3A_359 = tpu.memref_slice %arg8[%arg0, %add3A_136, %dma_start3A_358] : memref<2x10240x128xf32, #tpu.memory_space<hbm>> -> memref<1x80x128xf32, #tpu.memory_space<hbm>>
      %dma_start3A_360 = tpu.memref_squeeze %dma_start3A_359 : memref<1x80x128xf32, #tpu.memory_space<hbm>> -> memref<80x128xf32, #tpu.memory_space<hbm>>
      %dma_start3A_361 = arith.constant 0 : i32
      %dma_start3A_362 = tpu.memref_slice %arg8[%arg0, %add3A_136, %dma_start3A_361] : memref<2x10240x128xf32, #tpu.memory_space<hbm>> -> memref<1x80x128xf32, #tpu.memory_space<hbm>>
      %dma_start3A_363 = tpu.memref_squeeze %dma_start3A_362 : memref<1x80x128xf32, #tpu.memory_space<hbm>> -> memref<80x128xf32, #tpu.memory_space<hbm>>
      tpu.enqueue_dma source(%arg15 : memref<80x128xf32, #tpu.memory_space<vmem>>) target(%dma_start3A_363 : memref<80x128xf32, #tpu.memory_space<hbm>>) target_semaphore(%run_scoped3A_357 : memref<!tpu.dma_semaphore, #tpu.memory_space<semaphore_mem>>)
      %dma_wait3A_364 = arith.constant 0 : i32
      %dma_wait3A_365 = tpu.memref_slice %arg8[%arg0, %add3A_136, %dma_wait3A_364] : memref<2x10240x128xf32, #tpu.memory_space<hbm>> -> memref<1x80x128xf32, #tpu.memory_space<hbm>>
      %dma_wait3A_366 = tpu.memref_squeeze %dma_wait3A_365 : memref<1x80x128xf32, #tpu.memory_space<hbm>> -> memref<80x128xf32, #tpu.memory_space<hbm>>
      %dma_wait3A_367 = arith.constant 0 : i32
      %dma_wait3A_368 = tpu.memref_slice %arg8[%arg0, %add3A_136, %dma_wait3A_367] : memref<2x10240x128xf32, #tpu.memory_space<hbm>> -> memref<1x80x128xf32, #tpu.memory_space<hbm>>
      %dma_wait3A_369 = tpu.memref_squeeze %dma_wait3A_368 : memref<1x80x128xf32, #tpu.memory_space<hbm>> -> memref<80x128xf32, #tpu.memory_space<hbm>>
      tpu.wait_dma2 semaphore(%run_scoped3A_357 : memref<!tpu.dma_semaphore, #tpu.memory_space<semaphore_mem>>) src(%arg15 : memref<80x128xf32, #tpu.memory_space<vmem>>) dst(%dma_wait3A_369 : memref<80x128xf32, #tpu.memory_space<hbm>>)
      tpu.yield
    }) : () -> ()
    "tpu.region"() ({
      %run_scoped3A_357 = tpu.sem_alloc : memref<!tpu.dma_semaphore, #tpu.memory_space<semaphore_mem>>
      tpu.enqueue_dma source(%arg7 : memref<80x128xf32, #tpu.memory_space<hbm>>) target(%arg16 : memref<80x128xf32, #tpu.memory_space<vmem>>) target_semaphore(%run_scoped3A_357 : memref<!tpu.dma_semaphore, #tpu.memory_space<semaphore_mem>>)
      tpu.wait_dma2 semaphore(%run_scoped3A_357 : memref<!tpu.dma_semaphore, #tpu.memory_space<semaphore_mem>>) src(%arg7 : memref<80x128xf32, #tpu.memory_space<hbm>>) dst(%arg16 : memref<80x128xf32, #tpu.memory_space<vmem>>)
      tpu.yield
    }) : () -> ()
    %barrier3A_151 = arith.constant 0 : index
    tpu.barrier barrier_id(%barrier3A_151)
    %dma_start3A_152 = arith.constant 0 : i32
    %dma_start3A_153 = arith.constant 0 : i32
    %dma_start3A_154 = tpu.memref_slice %arg14[%dma_start3A_152, %dma_start3A_153] : memref<125x80xi32, #tpu.memory_space<vmem>> -> memref<1x80xi32, #tpu.memory_space<vmem>>
    %dma_start3A_155 = tpu.memref_squeeze %dma_start3A_154 : memref<1x80xi32, #tpu.memory_space<vmem>> -> memref<80xi32, #tpu.memory_space<vmem>>
    %dma_start3A_156 = arith.constant 0 : i32
    %dma_start3A_157 = arith.constant 0 : i32
    %dma_start3A_158 = tpu.memref_slice %arg10[%dma_start3A_156, %dma_start3A_157] : memref<10240x128xf32, #tpu.memory_space<vmem_shared>> -> memref<10240x128xf32, #tpu.memory_space<vmem_shared>>
    tpu.enqueue_indirect_dma source(%arg16 : memref<80x128xf32, #tpu.memory_space<vmem>>) target(%dma_start3A_158 : memref<10240x128xf32, #tpu.memory_space<vmem_shared>>) offsets(%dma_start3A_155 : memref<80xi32, #tpu.memory_space<vmem>>) semaphore(%arg17 : memref<!tpu.dma_semaphore, #tpu.memory_space<semaphore_mem>>) {add = true}
    %dma_start3A_159 = arith.constant 1 : i32
    %dma_start3A_160 = arith.constant 0 : i32
    %dma_start3A_161 = tpu.memref_slice %arg14[%dma_start3A_159, %dma_start3A_160] : memref<125x80xi32, #tpu.memory_space<vmem>> -> memref<1x80xi32, #tpu.memory_space<vmem>>
    %dma_start3A_162 = tpu.memref_squeeze %dma_start3A_161 : memref<1x80xi32, #tpu.memory_space<vmem>> -> memref<80xi32, #tpu.memory_space<vmem>>
    %dma_start3A_163 = arith.constant 0 : i32
    %dma_start3A_164 = arith.constant 0 : i32
    %dma_start3A_165 = tpu.memref_slice %arg10[%dma_start3A_163, %dma_start3A_164] : memref<10240x128xf32, #tpu.memory_space<vmem_shared>> -> memref<10240x128xf32, #tpu.memory_space<vmem_shared>>
    tpu.enqueue_indirect_dma source(%arg16 : memref<80x128xf32, #tpu.memory_space<vmem>>) target(%dma_start3A_165 : memref<10240x128xf32, #tpu.memory_space<vmem_shared>>) offsets(%dma_start3A_162 : memref<80xi32, #tpu.memory_space<vmem>>) semaphore(%arg18 : memref<!tpu.dma_semaphore, #tpu.memory_space<semaphore_mem>>) {add = true}
    %dma_start3A_166 = arith.constant 2 : i32
    %dma_start3A_167 = arith.constant 0 : i32
    %dma_start3A_168 = tpu.memref_slice %arg14[%dma_start3A_166, %dma_start3A_167] : memref<125x80xi32, #tpu.memory_space<vmem>> -> memref<1x80xi32, #tpu.memory_space<vmem>>
    %dma_start3A_169 = tpu.memref_squeeze %dma_start3A_168 : memref<1x80xi32, #tpu.memory_space<vmem>> -> memref<80xi32, #tpu.memory_space<vmem>>
    %dma_start3A_170 = arith.constant 0 : i32
    %dma_start3A_171 = arith.constant 0 : i32
    %dma_start3A_172 = tpu.memref_slice %arg10[%dma_start3A_170, %dma_start3A_171] : memref<10240x128xf32, #tpu.memory_space<vmem_shared>> -> memref<10240x128xf32, #tpu.memory_space<vmem_shared>>
    tpu.enqueue_indirect_dma source(%arg16 : memref<80x128xf32, #tpu.memory_space<vmem>>) target(%dma_start3A_172 : memref<10240x128xf32, #tpu.memory_space<vmem_shared>>) offsets(%dma_start3A_169 : memref<80xi32, #tpu.memory_space<vmem>>) semaphore(%arg19 : memref<!tpu.dma_semaphore, #tpu.memory_space<semaphore_mem>>) {add = true}
    %scan3A_173 = arith.constant 0 : i32
    %scan3A_174 = arith.constant 0 : i32
    %scan3A_175 = arith.constant 30 : i32
    %scan3A_176 = arith.addi %scan3A_174, %scan3A_175 : i32
    %scan3A_177 = arith.constant 1 : i32
    scf.for %scan3A_357 = %scan3A_174 to %scan3A_176 step %scan3A_177  : i32 {
      %mul3A_358 = arith.constant 4 : i32
      %mul3A_359 = arith.muli %mul3A_358, %scan3A_357 : i32
      %add3A_360 = arith.constant 3 : i32
      %add3A_361 = arith.addi %add3A_360, %mul3A_359 : i32
      %dma_start3A_362 = arith.constant 0 : i32
      %dma_start3A_363 = tpu.memref_slice %arg14[%add3A_361, %dma_start3A_362] : memref<125x80xi32, #tpu.memory_space<vmem>> -> memref<1x80xi32, #tpu.memory_space<vmem>>
      %dma_start3A_364 = tpu.memref_squeeze %dma_start3A_363 : memref<1x80xi32, #tpu.memory_space<vmem>> -> memref<80xi32, #tpu.memory_space<vmem>>
      %dma_start3A_365 = arith.constant 0 : i32
      %dma_start3A_366 = arith.constant 0 : i32
      %dma_start3A_367 = tpu.memref_slice %arg10[%dma_start3A_365, %dma_start3A_366] : memref<10240x128xf32, #tpu.memory_space<vmem_shared>> -> memref<10240x128xf32, #tpu.memory_space<vmem_shared>>
      tpu.enqueue_indirect_dma source(%arg16 : memref<80x128xf32, #tpu.memory_space<vmem>>) target(%dma_start3A_367 : memref<10240x128xf32, #tpu.memory_space<vmem_shared>>) offsets(%dma_start3A_364 : memref<80xi32, #tpu.memory_space<vmem>>) semaphore(%arg20 : memref<!tpu.dma_semaphore, #tpu.memory_space<semaphore_mem>>) {add = true}
      %dma_wait3A_368 = arith.constant 0 : i32
      %dma_wait3A_369 = arith.constant 0 : i32
      %dma_wait3A_370 = tpu.memref_slice %arg14[%dma_wait3A_368, %dma_wait3A_369] : memref<125x80xi32, #tpu.memory_space<vmem>> -> memref<1x80xi32, #tpu.memory_space<vmem>>
      %dma_wait3A_371 = tpu.memref_squeeze %dma_wait3A_370 : memref<1x80xi32, #tpu.memory_space<vmem>> -> memref<80xi32, #tpu.memory_space<vmem>>
      %dma_wait3A_372 = arith.constant 0 : i32
      %dma_wait3A_373 = arith.constant 0 : i32
      %dma_wait3A_374 = tpu.memref_slice %arg10[%dma_wait3A_372, %dma_wait3A_373] : memref<10240x128xf32, #tpu.memory_space<vmem_shared>> -> memref<10240x128xf32, #tpu.memory_space<vmem_shared>>
      tpu.wait_indirect_dma semaphore(%arg17 : memref<!tpu.dma_semaphore, #tpu.memory_space<semaphore_mem>>) src(%arg16 : memref<80x128xf32, #tpu.memory_space<vmem>>) dst(%dma_wait3A_374 : memref<10240x128xf32, #tpu.memory_space<vmem_shared>>)
      %add3A_375 = arith.constant 1 : i32
      %add3A_376 = arith.addi %add3A_361, %add3A_375 : i32
      %dma_start3A_377 = arith.constant 0 : i32
      %dma_start3A_378 = tpu.memref_slice %arg14[%add3A_376, %dma_start3A_377] : memref<125x80xi32, #tpu.memory_space<vmem>> -> memref<1x80xi32, #tpu.memory_space<vmem>>
      %dma_start3A_379 = tpu.memref_squeeze %dma_start3A_378 : memref<1x80xi32, #tpu.memory_space<vmem>> -> memref<80xi32, #tpu.memory_space<vmem>>
      %dma_start3A_380 = arith.constant 0 : i32
      %dma_start3A_381 = arith.constant 0 : i32
      %dma_start3A_382 = tpu.memref_slice %arg10[%dma_start3A_380, %dma_start3A_381] : memref<10240x128xf32, #tpu.memory_space<vmem_shared>> -> memref<10240x128xf32, #tpu.memory_space<vmem_shared>>
      tpu.enqueue_indirect_dma source(%arg16 : memref<80x128xf32, #tpu.memory_space<vmem>>) target(%dma_start3A_382 : memref<10240x128xf32, #tpu.memory_space<vmem_shared>>) offsets(%dma_start3A_379 : memref<80xi32, #tpu.memory_space<vmem>>) semaphore(%arg17 : memref<!tpu.dma_semaphore, #tpu.memory_space<semaphore_mem>>) {add = true}
      %dma_wait3A_383 = arith.constant 0 : i32
      %dma_wait3A_384 = arith.constant 0 : i32
      %dma_wait3A_385 = tpu.memref_slice %arg14[%dma_wait3A_383, %dma_wait3A_384] : memref<125x80xi32, #tpu.memory_space<vmem>> -> memref<1x80xi32, #tpu.memory_space<vmem>>
      %dma_wait3A_386 = tpu.memref_squeeze %dma_wait3A_385 : memref<1x80xi32, #tpu.memory_space<vmem>> -> memref<80xi32, #tpu.memory_space<vmem>>
      %dma_wait3A_387 = arith.constant 0 : i32
      %dma_wait3A_388 = arith.constant 0 : i32
      %dma_wait3A_389 = tpu.memref_slice %arg10[%dma_wait3A_387, %dma_wait3A_388] : memref<10240x128xf32, #tpu.memory_space<vmem_shared>> -> memref<10240x128xf32, #tpu.memory_space<vmem_shared>>
      tpu.wait_indirect_dma semaphore(%arg18 : memref<!tpu.dma_semaphore, #tpu.memory_space<semaphore_mem>>) src(%arg16 : memref<80x128xf32, #tpu.memory_space<vmem>>) dst(%dma_wait3A_389 : memref<10240x128xf32, #tpu.memory_space<vmem_shared>>)
      %add3A_390 = arith.constant 2 : i32
      %add3A_391 = arith.addi %add3A_361, %add3A_390 : i32
      %dma_start3A_392 = arith.constant 0 : i32
      %dma_start3A_393 = tpu.memref_slice %arg14[%add3A_391, %dma_start3A_392] : memref<125x80xi32, #tpu.memory_space<vmem>> -> memref<1x80xi32, #tpu.memory_space<vmem>>
      %dma_start3A_394 = tpu.memref_squeeze %dma_start3A_393 : memref<1x80xi32, #tpu.memory_space<vmem>> -> memref<80xi32, #tpu.memory_space<vmem>>
      %dma_start3A_395 = arith.constant 0 : i32
      %dma_start3A_396 = arith.constant 0 : i32
      %dma_start3A_397 = tpu.memref_slice %arg10[%dma_start3A_395, %dma_start3A_396] : memref<10240x128xf32, #tpu.memory_space<vmem_shared>> -> memref<10240x128xf32, #tpu.memory_space<vmem_shared>>
      tpu.enqueue_indirect_dma source(%arg16 : memref<80x128xf32, #tpu.memory_space<vmem>>) target(%dma_start3A_397 : memref<10240x128xf32, #tpu.memory_space<vmem_shared>>) offsets(%dma_start3A_394 : memref<80xi32, #tpu.memory_space<vmem>>) semaphore(%arg18 : memref<!tpu.dma_semaphore, #tpu.memory_space<semaphore_mem>>) {add = true}
      %dma_wait3A_398 = arith.constant 0 : i32
      %dma_wait3A_399 = arith.constant 0 : i32
      %dma_wait3A_400 = tpu.memref_slice %arg14[%dma_wait3A_398, %dma_wait3A_399] : memref<125x80xi32, #tpu.memory_space<vmem>> -> memref<1x80xi32, #tpu.memory_space<vmem>>
      %dma_wait3A_401 = tpu.memref_squeeze %dma_wait3A_400 : memref<1x80xi32, #tpu.memory_space<vmem>> -> memref<80xi32, #tpu.memory_space<vmem>>
      %dma_wait3A_402 = arith.constant 0 : i32
      %dma_wait3A_403 = arith.constant 0 : i32
      %dma_wait3A_404 = tpu.memref_slice %arg10[%dma_wait3A_402, %dma_wait3A_403] : memref<10240x128xf32, #tpu.memory_space<vmem_shared>> -> memref<10240x128xf32, #tpu.memory_space<vmem_shared>>
      tpu.wait_indirect_dma semaphore(%arg19 : memref<!tpu.dma_semaphore, #tpu.memory_space<semaphore_mem>>) src(%arg16 : memref<80x128xf32, #tpu.memory_space<vmem>>) dst(%dma_wait3A_404 : memref<10240x128xf32, #tpu.memory_space<vmem_shared>>)
      %add3A_405 = arith.constant 3 : i32
      %add3A_406 = arith.addi %add3A_361, %add3A_405 : i32
      %dma_start3A_407 = arith.constant 0 : i32
      %dma_start3A_408 = tpu.memref_slice %arg14[%add3A_406, %dma_start3A_407] : memref<125x80xi32, #tpu.memory_space<vmem>> -> memref<1x80xi32, #tpu.memory_space<vmem>>
      %dma_start3A_409 = tpu.memref_squeeze %dma_start3A_408 : memref<1x80xi32, #tpu.memory_space<vmem>> -> memref<80xi32, #tpu.memory_space<vmem>>
      %dma_start3A_410 = arith.constant 0 : i32
      %dma_start3A_411 = arith.constant 0 : i32
      %dma_start3A_412 = tpu.memref_slice %arg10[%dma_start3A_410, %dma_start3A_411] : memref<10240x128xf32, #tpu.memory_space<vmem_shared>> -> memref<10240x128xf32, #tpu.memory_space<vmem_shared>>
      tpu.enqueue_indirect_dma source(%arg16 : memref<80x128xf32, #tpu.memory_space<vmem>>) target(%dma_start3A_412 : memref<10240x128xf32, #tpu.memory_space<vmem_shared>>) offsets(%dma_start3A_409 : memref<80xi32, #tpu.memory_space<vmem>>) semaphore(%arg19 : memref<!tpu.dma_semaphore, #tpu.memory_space<semaphore_mem>>) {add = true}
      %dma_wait3A_413 = arith.constant 0 : i32
      %dma_wait3A_414 = arith.constant 0 : i32
      %dma_wait3A_415 = tpu.memref_slice %arg14[%dma_wait3A_413, %dma_wait3A_414] : memref<125x80xi32, #tpu.memory_space<vmem>> -> memref<1x80xi32, #tpu.memory_space<vmem>>
      %dma_wait3A_416 = tpu.memref_squeeze %dma_wait3A_415 : memref<1x80xi32, #tpu.memory_space<vmem>> -> memref<80xi32, #tpu.memory_space<vmem>>
      %dma_wait3A_417 = arith.constant 0 : i32
      %dma_wait3A_418 = arith.constant 0 : i32
      %dma_wait3A_419 = tpu.memref_slice %arg10[%dma_wait3A_417, %dma_wait3A_418] : memref<10240x128xf32, #tpu.memory_space<vmem_shared>> -> memref<10240x128xf32, #tpu.memory_space<vmem_shared>>
      tpu.wait_indirect_dma semaphore(%arg20 : memref<!tpu.dma_semaphore, #tpu.memory_space<semaphore_mem>>) src(%arg16 : memref<80x128xf32, #tpu.memory_space<vmem>>) dst(%dma_wait3A_419 : memref<10240x128xf32, #tpu.memory_space<vmem_shared>>)
    }
    %scan3A_178 = arith.constant 30 : i32
    %dma_start3A_179 = arith.constant 123 : i32
    %dma_start3A_180 = arith.constant 0 : i32
    %dma_start3A_181 = tpu.memref_slice %arg14[%dma_start3A_179, %dma_start3A_180] : memref<125x80xi32, #tpu.memory_space<vmem>> -> memref<1x80xi32, #tpu.memory_space<vmem>>
    %dma_start3A_182 = tpu.memref_squeeze %dma_start3A_181 : memref<1x80xi32, #tpu.memory_space<vmem>> -> memref<80xi32, #tpu.memory_space<vmem>>
    %dma_start3A_183 = arith.constant 0 : i32
    %dma_start3A_184 = arith.constant 0 : i32
    %dma_start3A_185 = tpu.memref_slice %arg10[%dma_start3A_183, %dma_start3A_184] : memref<10240x128xf32, #tpu.memory_space<vmem_shared>> -> memref<10240x128xf32, #tpu.memory_space<vmem_shared>>
    tpu.enqueue_indirect_dma source(%arg16 : memref<80x128xf32, #tpu.memory_space<vmem>>) target(%dma_start3A_185 : memref<10240x128xf32, #tpu.memory_space<vmem_shared>>) offsets(%dma_start3A_182 : memref<80xi32, #tpu.memory_space<vmem>>) semaphore(%arg20 : memref<!tpu.dma_semaphore, #tpu.memory_space<semaphore_mem>>) {add = true}
    %dma_wait3A_186 = arith.constant 0 : i32
    %dma_wait3A_187 = arith.constant 0 : i32
    %dma_wait3A_188 = tpu.memref_slice %arg14[%dma_wait3A_186, %dma_wait3A_187] : memref<125x80xi32, #tpu.memory_space<vmem>> -> memref<1x80xi32, #tpu.memory_space<vmem>>
    %dma_wait3A_189 = tpu.memref_squeeze %dma_wait3A_188 : memref<1x80xi32, #tpu.memory_space<vmem>> -> memref<80xi32, #tpu.memory_space<vmem>>
    %dma_wait3A_190 = arith.constant 0 : i32
    %dma_wait3A_191 = arith.constant 0 : i32
    %dma_wait3A_192 = tpu.memref_slice %arg10[%dma_wait3A_190, %dma_wait3A_191] : memref<10240x128xf32, #tpu.memory_space<vmem_shared>> -> memref<10240x128xf32, #tpu.memory_space<vmem_shared>>
    tpu.wait_indirect_dma semaphore(%arg17 : memref<!tpu.dma_semaphore, #tpu.memory_space<semaphore_mem>>) src(%arg16 : memref<80x128xf32, #tpu.memory_space<vmem>>) dst(%dma_wait3A_192 : memref<10240x128xf32, #tpu.memory_space<vmem_shared>>)
    %dma_start3A_193 = arith.constant 124 : i32
    %dma_start3A_194 = arith.constant 0 : i32
    %dma_start3A_195 = tpu.memref_slice %arg14[%dma_start3A_193, %dma_start3A_194] : memref<125x80xi32, #tpu.memory_space<vmem>> -> memref<1x80xi32, #tpu.memory_space<vmem>>
    %dma_start3A_196 = tpu.memref_squeeze %dma_start3A_195 : memref<1x80xi32, #tpu.memory_space<vmem>> -> memref<80xi32, #tpu.memory_space<vmem>>
    %dma_start3A_197 = arith.constant 0 : i32
    %dma_start3A_198 = arith.constant 0 : i32
    %dma_start3A_199 = tpu.memref_slice %arg10[%dma_start3A_197, %dma_start3A_198] : memref<10240x128xf32, #tpu.memory_space<vmem_shared>> -> memref<10240x128xf32, #tpu.memory_space<vmem_shared>>
    tpu.enqueue_indirect_dma source(%arg16 : memref<80x128xf32, #tpu.memory_space<vmem>>) target(%dma_start3A_199 : memref<10240x128xf32, #tpu.memory_space<vmem_shared>>) offsets(%dma_start3A_196 : memref<80xi32, #tpu.memory_space<vmem>>) semaphore(%arg17 : memref<!tpu.dma_semaphore, #tpu.memory_space<semaphore_mem>>) {add = true}
    %dma_wait3A_200 = arith.constant 0 : i32
    %dma_wait3A_201 = arith.constant 0 : i32
    %dma_wait3A_202 = tpu.memref_slice %arg14[%dma_wait3A_200, %dma_wait3A_201] : memref<125x80xi32, #tpu.memory_space<vmem>> -> memref<1x80xi32, #tpu.memory_space<vmem>>
    %dma_wait3A_203 = tpu.memref_squeeze %dma_wait3A_202 : memref<1x80xi32, #tpu.memory_space<vmem>> -> memref<80xi32, #tpu.memory_space<vmem>>
    %dma_wait3A_204 = arith.constant 0 : i32
    %dma_wait3A_205 = arith.constant 0 : i32
    %dma_wait3A_206 = tpu.memref_slice %arg10[%dma_wait3A_204, %dma_wait3A_205] : memref<10240x128xf32, #tpu.memory_space<vmem_shared>> -> memref<10240x128xf32, #tpu.memory_space<vmem_shared>>
    tpu.wait_indirect_dma semaphore(%arg18 : memref<!tpu.dma_semaphore, #tpu.memory_space<semaphore_mem>>) src(%arg16 : memref<80x128xf32, #tpu.memory_space<vmem>>) dst(%dma_wait3A_206 : memref<10240x128xf32, #tpu.memory_space<vmem_shared>>)
    %dma_wait3A_207 = arith.constant 0 : i32
    %dma_wait3A_208 = arith.constant 0 : i32
    %dma_wait3A_209 = tpu.memref_slice %arg14[%dma_wait3A_207, %dma_wait3A_208] : memref<125x80xi32, #tpu.memory_space<vmem>> -> memref<1x80xi32, #tpu.memory_space<vmem>>
    %dma_wait3A_210 = tpu.memref_squeeze %dma_wait3A_209 : memref<1x80xi32, #tpu.memory_space<vmem>> -> memref<80xi32, #tpu.memory_space<vmem>>
    %dma_wait3A_211 = arith.constant 0 : i32
    %dma_wait3A_212 = arith.constant 0 : i32
    %dma_wait3A_213 = tpu.memref_slice %arg10[%dma_wait3A_211, %dma_wait3A_212] : memref<10240x128xf32, #tpu.memory_space<vmem_shared>> -> memref<10240x128xf32, #tpu.memory_space<vmem_shared>>
    tpu.wait_indirect_dma semaphore(%arg19 : memref<!tpu.dma_semaphore, #tpu.memory_space<semaphore_mem>>) src(%arg16 : memref<80x128xf32, #tpu.memory_space<vmem>>) dst(%dma_wait3A_213 : memref<10240x128xf32, #tpu.memory_space<vmem_shared>>)
    %dma_wait3A_214 = arith.constant 0 : i32
    %dma_wait3A_215 = arith.constant 0 : i32
    %dma_wait3A_216 = tpu.memref_slice %arg14[%dma_wait3A_214, %dma_wait3A_215] : memref<125x80xi32, #tpu.memory_space<vmem>> -> memref<1x80xi32, #tpu.memory_space<vmem>>
    %dma_wait3A_217 = tpu.memref_squeeze %dma_wait3A_216 : memref<1x80xi32, #tpu.memory_space<vmem>> -> memref<80xi32, #tpu.memory_space<vmem>>
    %dma_wait3A_218 = arith.constant 0 : i32
    %dma_wait3A_219 = arith.constant 0 : i32
    %dma_wait3A_220 = tpu.memref_slice %arg10[%dma_wait3A_218, %dma_wait3A_219] : memref<10240x128xf32, #tpu.memory_space<vmem_shared>> -> memref<10240x128xf32, #tpu.memory_space<vmem_shared>>
    tpu.wait_indirect_dma semaphore(%arg20 : memref<!tpu.dma_semaphore, #tpu.memory_space<semaphore_mem>>) src(%arg16 : memref<80x128xf32, #tpu.memory_space<vmem>>) dst(%dma_wait3A_220 : memref<10240x128xf32, #tpu.memory_space<vmem_shared>>)
    %dma_wait3A_221 = arith.constant 0 : i32
    %dma_wait3A_222 = arith.constant 0 : i32
    %dma_wait3A_223 = tpu.memref_slice %arg14[%dma_wait3A_221, %dma_wait3A_222] : memref<125x80xi32, #tpu.memory_space<vmem>> -> memref<1x80xi32, #tpu.memory_space<vmem>>
    %dma_wait3A_224 = tpu.memref_squeeze %dma_wait3A_223 : memref<1x80xi32, #tpu.memory_space<vmem>> -> memref<80xi32, #tpu.memory_space<vmem>>
    %dma_wait3A_225 = arith.constant 0 : i32
    %dma_wait3A_226 = arith.constant 0 : i32
    %dma_wait3A_227 = tpu.memref_slice %arg10[%dma_wait3A_225, %dma_wait3A_226] : memref<10240x128xf32, #tpu.memory_space<vmem_shared>> -> memref<10240x128xf32, #tpu.memory_space<vmem_shared>>
    tpu.wait_indirect_dma semaphore(%arg17 : memref<!tpu.dma_semaphore, #tpu.memory_space<semaphore_mem>>) src(%arg16 : memref<80x128xf32, #tpu.memory_space<vmem>>) dst(%dma_wait3A_227 : memref<10240x128xf32, #tpu.memory_space<vmem_shared>>)
    %barrier3A_228 = arith.constant 0 : index
    tpu.barrier barrier_id(%barrier3A_228)
    %add3A_229 = arith.constant 0 : i32
    %add3A_230 = arith.addi %mul3A_2, %add3A_229 : i32
    %dma_start3A_231 = arith.constant 0 : i32
    %dma_start3A_232 = arith.constant 0 : i32
    %dma_start3A_233 = tpu.memref_slice %arg11[%dma_start3A_231, %dma_start3A_232] : memref<8x80xi32, #tpu.memory_space<vmem>> -> memref<1x80xi32, #tpu.memory_space<vmem>>
    %dma_start3A_234 = tpu.memref_squeeze %dma_start3A_233 : memref<1x80xi32, #tpu.memory_space<vmem>> -> memref<80xi32, #tpu.memory_space<vmem>>
    %dma_start3A_235 = arith.constant 0 : i32
    %dma_start3A_236 = arith.constant 0 : i32
    %dma_start3A_237 = tpu.memref_slice %arg10[%dma_start3A_235, %dma_start3A_236] : memref<10240x128xf32, #tpu.memory_space<vmem_shared>> -> memref<10240x128xf32, #tpu.memory_space<vmem_shared>>
    tpu.enqueue_indirect_dma source(%dma_start3A_237 : memref<10240x128xf32, #tpu.memory_space<vmem_shared>>) target(%arg15 : memref<80x128xf32, #tpu.memory_space<vmem>>) offsets(%dma_start3A_234 : memref<80xi32, #tpu.memory_space<vmem>>) semaphore(%arg17 : memref<!tpu.dma_semaphore, #tpu.memory_space<semaphore_mem>>)
    %dma_wait3A_238 = arith.constant 0 : i32
    %dma_wait3A_239 = arith.constant 0 : i32
    %dma_wait3A_240 = tpu.memref_slice %arg11[%dma_wait3A_238, %dma_wait3A_239] : memref<8x80xi32, #tpu.memory_space<vmem>> -> memref<1x80xi32, #tpu.memory_space<vmem>>
    %dma_wait3A_241 = tpu.memref_squeeze %dma_wait3A_240 : memref<1x80xi32, #tpu.memory_space<vmem>> -> memref<80xi32, #tpu.memory_space<vmem>>
    %dma_wait3A_242 = arith.constant 0 : i32
    %dma_wait3A_243 = arith.constant 0 : i32
    %dma_wait3A_244 = tpu.memref_slice %arg10[%dma_wait3A_242, %dma_wait3A_243] : memref<10240x128xf32, #tpu.memory_space<vmem_shared>> -> memref<10240x128xf32, #tpu.memory_space<vmem_shared>>
    tpu.wait_indirect_dma semaphore(%arg17 : memref<!tpu.dma_semaphore, #tpu.memory_space<semaphore_mem>>) src(%dma_wait3A_244 : memref<10240x128xf32, #tpu.memory_space<vmem_shared>>) dst(%arg15 : memref<80x128xf32, #tpu.memory_space<vmem>>)
    "tpu.region"() ({
      %run_scoped3A_357 = tpu.sem_alloc : memref<!tpu.dma_semaphore, #tpu.memory_space<semaphore_mem>>
      %dma_start3A_358 = arith.constant 0 : i32
      %dma_start3A_359 = tpu.memref_slice %arg9[%arg0, %add3A_230, %dma_start3A_358] : memref<2x10240x128xf32, #tpu.memory_space<hbm>> -> memref<1x80x128xf32, #tpu.memory_space<hbm>>
      %dma_start3A_360 = tpu.memref_squeeze %dma_start3A_359 : memref<1x80x128xf32, #tpu.memory_space<hbm>> -> memref<80x128xf32, #tpu.memory_space<hbm>>
      %dma_start3A_361 = arith.constant 0 : i32
      %dma_start3A_362 = tpu.memref_slice %arg9[%arg0, %add3A_230, %dma_start3A_361] : memref<2x10240x128xf32, #tpu.memory_space<hbm>> -> memref<1x80x128xf32, #tpu.memory_space<hbm>>
      %dma_start3A_363 = tpu.memref_squeeze %dma_start3A_362 : memref<1x80x128xf32, #tpu.memory_space<hbm>> -> memref<80x128xf32, #tpu.memory_space<hbm>>
      tpu.enqueue_dma source(%arg15 : memref<80x128xf32, #tpu.memory_space<vmem>>) target(%dma_start3A_363 : memref<80x128xf32, #tpu.memory_space<hbm>>) target_semaphore(%run_scoped3A_357 : memref<!tpu.dma_semaphore, #tpu.memory_space<semaphore_mem>>)
      %dma_wait3A_364 = arith.constant 0 : i32
      %dma_wait3A_365 = tpu.memref_slice %arg9[%arg0, %add3A_230, %dma_wait3A_364] : memref<2x10240x128xf32, #tpu.memory_space<hbm>> -> memref<1x80x128xf32, #tpu.memory_space<hbm>>
      %dma_wait3A_366 = tpu.memref_squeeze %dma_wait3A_365 : memref<1x80x128xf32, #tpu.memory_space<hbm>> -> memref<80x128xf32, #tpu.memory_space<hbm>>
      %dma_wait3A_367 = arith.constant 0 : i32
      %dma_wait3A_368 = tpu.memref_slice %arg9[%arg0, %add3A_230, %dma_wait3A_367] : memref<2x10240x128xf32, #tpu.memory_space<hbm>> -> memref<1x80x128xf32, #tpu.memory_space<hbm>>
      %dma_wait3A_369 = tpu.memref_squeeze %dma_wait3A_368 : memref<1x80x128xf32, #tpu.memory_space<hbm>> -> memref<80x128xf32, #tpu.memory_space<hbm>>
      tpu.wait_dma2 semaphore(%run_scoped3A_357 : memref<!tpu.dma_semaphore, #tpu.memory_space<semaphore_mem>>) src(%arg15 : memref<80x128xf32, #tpu.memory_space<vmem>>) dst(%dma_wait3A_369 : memref<80x128xf32, #tpu.memory_space<hbm>>)
      tpu.yield
    }) : () -> ()
    %add3A_245 = arith.constant 80 : i32
    %add3A_246 = arith.addi %mul3A_2, %add3A_245 : i32
    %dma_start3A_247 = arith.constant 1 : i32
    %dma_start3A_248 = arith.constant 0 : i32
    %dma_start3A_249 = tpu.memref_slice %arg11[%dma_start3A_247, %dma_start3A_248] : memref<8x80xi32, #tpu.memory_space<vmem>> -> memref<1x80xi32, #tpu.memory_space<vmem>>
    %dma_start3A_250 = tpu.memref_squeeze %dma_start3A_249 : memref<1x80xi32, #tpu.memory_space<vmem>> -> memref<80xi32, #tpu.memory_space<vmem>>
    %dma_start3A_251 = arith.constant 0 : i32
    %dma_start3A_252 = arith.constant 0 : i32
    %dma_start3A_253 = tpu.memref_slice %arg10[%dma_start3A_251, %dma_start3A_252] : memref<10240x128xf32, #tpu.memory_space<vmem_shared>> -> memref<10240x128xf32, #tpu.memory_space<vmem_shared>>
    tpu.enqueue_indirect_dma source(%dma_start3A_253 : memref<10240x128xf32, #tpu.memory_space<vmem_shared>>) target(%arg15 : memref<80x128xf32, #tpu.memory_space<vmem>>) offsets(%dma_start3A_250 : memref<80xi32, #tpu.memory_space<vmem>>) semaphore(%arg17 : memref<!tpu.dma_semaphore, #tpu.memory_space<semaphore_mem>>)
    %dma_wait3A_254 = arith.constant 1 : i32
    %dma_wait3A_255 = arith.constant 0 : i32
    %dma_wait3A_256 = tpu.memref_slice %arg11[%dma_wait3A_254, %dma_wait3A_255] : memref<8x80xi32, #tpu.memory_space<vmem>> -> memref<1x80xi32, #tpu.memory_space<vmem>>
    %dma_wait3A_257 = tpu.memref_squeeze %dma_wait3A_256 : memref<1x80xi32, #tpu.memory_space<vmem>> -> memref<80xi32, #tpu.memory_space<vmem>>
    %dma_wait3A_258 = arith.constant 0 : i32
    %dma_wait3A_259 = arith.constant 0 : i32
    %dma_wait3A_260 = tpu.memref_slice %arg10[%dma_wait3A_258, %dma_wait3A_259] : memref<10240x128xf32, #tpu.memory_space<vmem_shared>> -> memref<10240x128xf32, #tpu.memory_space<vmem_shared>>
    tpu.wait_indirect_dma semaphore(%arg17 : memref<!tpu.dma_semaphore, #tpu.memory_space<semaphore_mem>>) src(%dma_wait3A_260 : memref<10240x128xf32, #tpu.memory_space<vmem_shared>>) dst(%arg15 : memref<80x128xf32, #tpu.memory_space<vmem>>)
    "tpu.region"() ({
      %run_scoped3A_357 = tpu.sem_alloc : memref<!tpu.dma_semaphore, #tpu.memory_space<semaphore_mem>>
      %dma_start3A_358 = arith.constant 0 : i32
      %dma_start3A_359 = tpu.memref_slice %arg9[%arg0, %add3A_246, %dma_start3A_358] : memref<2x10240x128xf32, #tpu.memory_space<hbm>> -> memref<1x80x128xf32, #tpu.memory_space<hbm>>
      %dma_start3A_360 = tpu.memref_squeeze %dma_start3A_359 : memref<1x80x128xf32, #tpu.memory_space<hbm>> -> memref<80x128xf32, #tpu.memory_space<hbm>>
      %dma_start3A_361 = arith.constant 0 : i32
      %dma_start3A_362 = tpu.memref_slice %arg9[%arg0, %add3A_246, %dma_start3A_361] : memref<2x10240x128xf32, #tpu.memory_space<hbm>> -> memref<1x80x128xf32, #tpu.memory_space<hbm>>
      %dma_start3A_363 = tpu.memref_squeeze %dma_start3A_362 : memref<1x80x128xf32, #tpu.memory_space<hbm>> -> memref<80x128xf32, #tpu.memory_space<hbm>>
      tpu.enqueue_dma source(%arg15 : memref<80x128xf32, #tpu.memory_space<vmem>>) target(%dma_start3A_363 : memref<80x128xf32, #tpu.memory_space<hbm>>) target_semaphore(%run_scoped3A_357 : memref<!tpu.dma_semaphore, #tpu.memory_space<semaphore_mem>>)
      %dma_wait3A_364 = arith.constant 0 : i32
      %dma_wait3A_365 = tpu.memref_slice %arg9[%arg0, %add3A_246, %dma_wait3A_364] : memref<2x10240x128xf32, #tpu.memory_space<hbm>> -> memref<1x80x128xf32, #tpu.memory_space<hbm>>
      %dma_wait3A_366 = tpu.memref_squeeze %dma_wait3A_365 : memref<1x80x128xf32, #tpu.memory_space<hbm>> -> memref<80x128xf32, #tpu.memory_space<hbm>>
      %dma_wait3A_367 = arith.constant 0 : i32
      %dma_wait3A_368 = tpu.memref_slice %arg9[%arg0, %add3A_246, %dma_wait3A_367] : memref<2x10240x128xf32, #tpu.memory_space<hbm>> -> memref<1x80x128xf32, #tpu.memory_space<hbm>>
      %dma_wait3A_369 = tpu.memref_squeeze %dma_wait3A_368 : memref<1x80x128xf32, #tpu.memory_space<hbm>> -> memref<80x128xf32, #tpu.memory_space<hbm>>
      tpu.wait_dma2 semaphore(%run_scoped3A_357 : memref<!tpu.dma_semaphore, #tpu.memory_space<semaphore_mem>>) src(%arg15 : memref<80x128xf32, #tpu.memory_space<vmem>>) dst(%dma_wait3A_369 : memref<80x128xf32, #tpu.memory_space<hbm>>)
      tpu.yield
    }) : () -> ()
    %add3A_261 = arith.constant 160 : i32
    %add3A_262 = arith.addi %mul3A_2, %add3A_261 : i32
    %dma_start3A_263 = arith.constant 2 : i32
    %dma_start3A_264 = arith.constant 0 : i32
    %dma_start3A_265 = tpu.memref_slice %arg11[%dma_start3A_263, %dma_start3A_264] : memref<8x80xi32, #tpu.memory_space<vmem>> -> memref<1x80xi32, #tpu.memory_space<vmem>>
    %dma_start3A_266 = tpu.memref_squeeze %dma_start3A_265 : memref<1x80xi32, #tpu.memory_space<vmem>> -> memref<80xi32, #tpu.memory_space<vmem>>
    %dma_start3A_267 = arith.constant 0 : i32
    %dma_start3A_268 = arith.constant 0 : i32
    %dma_start3A_269 = tpu.memref_slice %arg10[%dma_start3A_267, %dma_start3A_268] : memref<10240x128xf32, #tpu.memory_space<vmem_shared>> -> memref<10240x128xf32, #tpu.memory_space<vmem_shared>>
    tpu.enqueue_indirect_dma source(%dma_start3A_269 : memref<10240x128xf32, #tpu.memory_space<vmem_shared>>) target(%arg15 : memref<80x128xf32, #tpu.memory_space<vmem>>) offsets(%dma_start3A_266 : memref<80xi32, #tpu.memory_space<vmem>>) semaphore(%arg17 : memref<!tpu.dma_semaphore, #tpu.memory_space<semaphore_mem>>)
    %dma_wait3A_270 = arith.constant 2 : i32
    %dma_wait3A_271 = arith.constant 0 : i32
    %dma_wait3A_272 = tpu.memref_slice %arg11[%dma_wait3A_270, %dma_wait3A_271] : memref<8x80xi32, #tpu.memory_space<vmem>> -> memref<1x80xi32, #tpu.memory_space<vmem>>
    %dma_wait3A_273 = tpu.memref_squeeze %dma_wait3A_272 : memref<1x80xi32, #tpu.memory_space<vmem>> -> memref<80xi32, #tpu.memory_space<vmem>>
    %dma_wait3A_274 = arith.constant 0 : i32
    %dma_wait3A_275 = arith.constant 0 : i32
    %dma_wait3A_276 = tpu.memref_slice %arg10[%dma_wait3A_274, %dma_wait3A_275] : memref<10240x128xf32, #tpu.memory_space<vmem_shared>> -> memref<10240x128xf32, #tpu.memory_space<vmem_shared>>
    tpu.wait_indirect_dma semaphore(%arg17 : memref<!tpu.dma_semaphore, #tpu.memory_space<semaphore_mem>>) src(%dma_wait3A_276 : memref<10240x128xf32, #tpu.memory_space<vmem_shared>>) dst(%arg15 : memref<80x128xf32, #tpu.memory_space<vmem>>)
    "tpu.region"() ({
      %run_scoped3A_357 = tpu.sem_alloc : memref<!tpu.dma_semaphore, #tpu.memory_space<semaphore_mem>>
      %dma_start3A_358 = arith.constant 0 : i32
      %dma_start3A_359 = tpu.memref_slice %arg9[%arg0, %add3A_262, %dma_start3A_358] : memref<2x10240x128xf32, #tpu.memory_space<hbm>> -> memref<1x80x128xf32, #tpu.memory_space<hbm>>
      %dma_start3A_360 = tpu.memref_squeeze %dma_start3A_359 : memref<1x80x128xf32, #tpu.memory_space<hbm>> -> memref<80x128xf32, #tpu.memory_space<hbm>>
      %dma_start3A_361 = arith.constant 0 : i32
      %dma_start3A_362 = tpu.memref_slice %arg9[%arg0, %add3A_262, %dma_start3A_361] : memref<2x10240x128xf32, #tpu.memory_space<hbm>> -> memref<1x80x128xf32, #tpu.memory_space<hbm>>
      %dma_start3A_363 = tpu.memref_squeeze %dma_start3A_362 : memref<1x80x128xf32, #tpu.memory_space<hbm>> -> memref<80x128xf32, #tpu.memory_space<hbm>>
      tpu.enqueue_dma source(%arg15 : memref<80x128xf32, #tpu.memory_space<vmem>>) target(%dma_start3A_363 : memref<80x128xf32, #tpu.memory_space<hbm>>) target_semaphore(%run_scoped3A_357 : memref<!tpu.dma_semaphore, #tpu.memory_space<semaphore_mem>>)
      %dma_wait3A_364 = arith.constant 0 : i32
      %dma_wait3A_365 = tpu.memref_slice %arg9[%arg0, %add3A_262, %dma_wait3A_364] : memref<2x10240x128xf32, #tpu.memory_space<hbm>> -> memref<1x80x128xf32, #tpu.memory_space<hbm>>
      %dma_wait3A_366 = tpu.memref_squeeze %dma_wait3A_365 : memref<1x80x128xf32, #tpu.memory_space<hbm>> -> memref<80x128xf32, #tpu.memory_space<hbm>>
      %dma_wait3A_367 = arith.constant 0 : i32
      %dma_wait3A_368 = tpu.memref_slice %arg9[%arg0, %add3A_262, %dma_wait3A_367] : memref<2x10240x128xf32, #tpu.memory_space<hbm>> -> memref<1x80x128xf32, #tpu.memory_space<hbm>>
      %dma_wait3A_369 = tpu.memref_squeeze %dma_wait3A_368 : memref<1x80x128xf32, #tpu.memory_space<hbm>> -> memref<80x128xf32, #tpu.memory_space<hbm>>
      tpu.wait_dma2 semaphore(%run_scoped3A_357 : memref<!tpu.dma_semaphore, #tpu.memory_space<semaphore_mem>>) src(%arg15 : memref<80x128xf32, #tpu.memory_space<vmem>>) dst(%dma_wait3A_369 : memref<80x128xf32, #tpu.memory_space<hbm>>)
      tpu.yield
    }) : () -> ()
    %add3A_277 = arith.constant 240 : i32
    %add3A_278 = arith.addi %mul3A_2, %add3A_277 : i32
    %dma_start3A_279 = arith.constant 3 : i32
    %dma_start3A_280 = arith.constant 0 : i32
    %dma_start3A_281 = tpu.memref_slice %arg11[%dma_start3A_279, %dma_start3A_280] : memref<8x80xi32, #tpu.memory_space<vmem>> -> memref<1x80xi32, #tpu.memory_space<vmem>>
    %dma_start3A_282 = tpu.memref_squeeze %dma_start3A_281 : memref<1x80xi32, #tpu.memory_space<vmem>> -> memref<80xi32, #tpu.memory_space<vmem>>
    %dma_start3A_283 = arith.constant 0 : i32
    %dma_start3A_284 = arith.constant 0 : i32
    %dma_start3A_285 = tpu.memref_slice %arg10[%dma_start3A_283, %dma_start3A_284] : memref<10240x128xf32, #tpu.memory_space<vmem_shared>> -> memref<10240x128xf32, #tpu.memory_space<vmem_shared>>
    tpu.enqueue_indirect_dma source(%dma_start3A_285 : memref<10240x128xf32, #tpu.memory_space<vmem_shared>>) target(%arg15 : memref<80x128xf32, #tpu.memory_space<vmem>>) offsets(%dma_start3A_282 : memref<80xi32, #tpu.memory_space<vmem>>) semaphore(%arg17 : memref<!tpu.dma_semaphore, #tpu.memory_space<semaphore_mem>>)
    %dma_wait3A_286 = arith.constant 3 : i32
    %dma_wait3A_287 = arith.constant 0 : i32
    %dma_wait3A_288 = tpu.memref_slice %arg11[%dma_wait3A_286, %dma_wait3A_287] : memref<8x80xi32, #tpu.memory_space<vmem>> -> memref<1x80xi32, #tpu.memory_space<vmem>>
    %dma_wait3A_289 = tpu.memref_squeeze %dma_wait3A_288 : memref<1x80xi32, #tpu.memory_space<vmem>> -> memref<80xi32, #tpu.memory_space<vmem>>
    %dma_wait3A_290 = arith.constant 0 : i32
    %dma_wait3A_291 = arith.constant 0 : i32
    %dma_wait3A_292 = tpu.memref_slice %arg10[%dma_wait3A_290, %dma_wait3A_291] : memref<10240x128xf32, #tpu.memory_space<vmem_shared>> -> memref<10240x128xf32, #tpu.memory_space<vmem_shared>>
    tpu.wait_indirect_dma semaphore(%arg17 : memref<!tpu.dma_semaphore, #tpu.memory_space<semaphore_mem>>) src(%dma_wait3A_292 : memref<10240x128xf32, #tpu.memory_space<vmem_shared>>) dst(%arg15 : memref<80x128xf32, #tpu.memory_space<vmem>>)
    "tpu.region"() ({
      %run_scoped3A_357 = tpu.sem_alloc : memref<!tpu.dma_semaphore, #tpu.memory_space<semaphore_mem>>
      %dma_start3A_358 = arith.constant 0 : i32
      %dma_start3A_359 = tpu.memref_slice %arg9[%arg0, %add3A_278, %dma_start3A_358] : memref<2x10240x128xf32, #tpu.memory_space<hbm>> -> memref<1x80x128xf32, #tpu.memory_space<hbm>>
      %dma_start3A_360 = tpu.memref_squeeze %dma_start3A_359 : memref<1x80x128xf32, #tpu.memory_space<hbm>> -> memref<80x128xf32, #tpu.memory_space<hbm>>
      %dma_start3A_361 = arith.constant 0 : i32
      %dma_start3A_362 = tpu.memref_slice %arg9[%arg0, %add3A_278, %dma_start3A_361] : memref<2x10240x128xf32, #tpu.memory_space<hbm>> -> memref<1x80x128xf32, #tpu.memory_space<hbm>>
      %dma_start3A_363 = tpu.memref_squeeze %dma_start3A_362 : memref<1x80x128xf32, #tpu.memory_space<hbm>> -> memref<80x128xf32, #tpu.memory_space<hbm>>
      tpu.enqueue_dma source(%arg15 : memref<80x128xf32, #tpu.memory_space<vmem>>) target(%dma_start3A_363 : memref<80x128xf32, #tpu.memory_space<hbm>>) target_semaphore(%run_scoped3A_357 : memref<!tpu.dma_semaphore, #tpu.memory_space<semaphore_mem>>)
      %dma_wait3A_364 = arith.constant 0 : i32
      %dma_wait3A_365 = tpu.memref_slice %arg9[%arg0, %add3A_278, %dma_wait3A_364] : memref<2x10240x128xf32, #tpu.memory_space<hbm>> -> memref<1x80x128xf32, #tpu.memory_space<hbm>>
      %dma_wait3A_366 = tpu.memref_squeeze %dma_wait3A_365 : memref<1x80x128xf32, #tpu.memory_space<hbm>> -> memref<80x128xf32, #tpu.memory_space<hbm>>
      %dma_wait3A_367 = arith.constant 0 : i32
      %dma_wait3A_368 = tpu.memref_slice %arg9[%arg0, %add3A_278, %dma_wait3A_367] : memref<2x10240x128xf32, #tpu.memory_space<hbm>> -> memref<1x80x128xf32, #tpu.memory_space<hbm>>
      %dma_wait3A_369 = tpu.memref_squeeze %dma_wait3A_368 : memref<1x80x128xf32, #tpu.memory_space<hbm>> -> memref<80x128xf32, #tpu.memory_space<hbm>>
      tpu.wait_dma2 semaphore(%run_scoped3A_357 : memref<!tpu.dma_semaphore, #tpu.memory_space<semaphore_mem>>) src(%arg15 : memref<80x128xf32, #tpu.memory_space<vmem>>) dst(%dma_wait3A_369 : memref<80x128xf32, #tpu.memory_space<hbm>>)
      tpu.yield
    }) : () -> ()
    %add3A_293 = arith.constant 320 : i32
    %add3A_294 = arith.addi %mul3A_2, %add3A_293 : i32
    %dma_start3A_295 = arith.constant 4 : i32
    %dma_start3A_296 = arith.constant 0 : i32
    %dma_start3A_297 = tpu.memref_slice %arg11[%dma_start3A_295, %dma_start3A_296] : memref<8x80xi32, #tpu.memory_space<vmem>> -> memref<1x80xi32, #tpu.memory_space<vmem>>
    %dma_start3A_298 = tpu.memref_squeeze %dma_start3A_297 : memref<1x80xi32, #tpu.memory_space<vmem>> -> memref<80xi32, #tpu.memory_space<vmem>>
    %dma_start3A_299 = arith.constant 0 : i32
    %dma_start3A_300 = arith.constant 0 : i32
    %dma_start3A_301 = tpu.memref_slice %arg10[%dma_start3A_299, %dma_start3A_300] : memref<10240x128xf32, #tpu.memory_space<vmem_shared>> -> memref<10240x128xf32, #tpu.memory_space<vmem_shared>>
    tpu.enqueue_indirect_dma source(%dma_start3A_301 : memref<10240x128xf32, #tpu.memory_space<vmem_shared>>) target(%arg15 : memref<80x128xf32, #tpu.memory_space<vmem>>) offsets(%dma_start3A_298 : memref<80xi32, #tpu.memory_space<vmem>>) semaphore(%arg17 : memref<!tpu.dma_semaphore, #tpu.memory_space<semaphore_mem>>)
    %dma_wait3A_302 = arith.constant 4 : i32
    %dma_wait3A_303 = arith.constant 0 : i32
    %dma_wait3A_304 = tpu.memref_slice %arg11[%dma_wait3A_302, %dma_wait3A_303] : memref<8x80xi32, #tpu.memory_space<vmem>> -> memref<1x80xi32, #tpu.memory_space<vmem>>
    %dma_wait3A_305 = tpu.memref_squeeze %dma_wait3A_304 : memref<1x80xi32, #tpu.memory_space<vmem>> -> memref<80xi32, #tpu.memory_space<vmem>>
    %dma_wait3A_306 = arith.constant 0 : i32
    %dma_wait3A_307 = arith.constant 0 : i32
    %dma_wait3A_308 = tpu.memref_slice %arg10[%dma_wait3A_306, %dma_wait3A_307] : memref<10240x128xf32, #tpu.memory_space<vmem_shared>> -> memref<10240x128xf32, #tpu.memory_space<vmem_shared>>
    tpu.wait_indirect_dma semaphore(%arg17 : memref<!tpu.dma_semaphore, #tpu.memory_space<semaphore_mem>>) src(%dma_wait3A_308 : memref<10240x128xf32, #tpu.memory_space<vmem_shared>>) dst(%arg15 : memref<80x128xf32, #tpu.memory_space<vmem>>)
    "tpu.region"() ({
      %run_scoped3A_357 = tpu.sem_alloc : memref<!tpu.dma_semaphore, #tpu.memory_space<semaphore_mem>>
      %dma_start3A_358 = arith.constant 0 : i32
      %dma_start3A_359 = tpu.memref_slice %arg9[%arg0, %add3A_294, %dma_start3A_358] : memref<2x10240x128xf32, #tpu.memory_space<hbm>> -> memref<1x80x128xf32, #tpu.memory_space<hbm>>
      %dma_start3A_360 = tpu.memref_squeeze %dma_start3A_359 : memref<1x80x128xf32, #tpu.memory_space<hbm>> -> memref<80x128xf32, #tpu.memory_space<hbm>>
      %dma_start3A_361 = arith.constant 0 : i32
      %dma_start3A_362 = tpu.memref_slice %arg9[%arg0, %add3A_294, %dma_start3A_361] : memref<2x10240x128xf32, #tpu.memory_space<hbm>> -> memref<1x80x128xf32, #tpu.memory_space<hbm>>
      %dma_start3A_363 = tpu.memref_squeeze %dma_start3A_362 : memref<1x80x128xf32, #tpu.memory_space<hbm>> -> memref<80x128xf32, #tpu.memory_space<hbm>>
      tpu.enqueue_dma source(%arg15 : memref<80x128xf32, #tpu.memory_space<vmem>>) target(%dma_start3A_363 : memref<80x128xf32, #tpu.memory_space<hbm>>) target_semaphore(%run_scoped3A_357 : memref<!tpu.dma_semaphore, #tpu.memory_space<semaphore_mem>>)
      %dma_wait3A_364 = arith.constant 0 : i32
      %dma_wait3A_365 = tpu.memref_slice %arg9[%arg0, %add3A_294, %dma_wait3A_364] : memref<2x10240x128xf32, #tpu.memory_space<hbm>> -> memref<1x80x128xf32, #tpu.memory_space<hbm>>
      %dma_wait3A_366 = tpu.memref_squeeze %dma_wait3A_365 : memref<1x80x128xf32, #tpu.memory_space<hbm>> -> memref<80x128xf32, #tpu.memory_space<hbm>>
      %dma_wait3A_367 = arith.constant 0 : i32
      %dma_wait3A_368 = tpu.memref_slice %arg9[%arg0, %add3A_294, %dma_wait3A_367] : memref<2x10240x128xf32, #tpu.memory_space<hbm>> -> memref<1x80x128xf32, #tpu.memory_space<hbm>>
      %dma_wait3A_369 = tpu.memref_squeeze %dma_wait3A_368 : memref<1x80x128xf32, #tpu.memory_space<hbm>> -> memref<80x128xf32, #tpu.memory_space<hbm>>
      tpu.wait_dma2 semaphore(%run_scoped3A_357 : memref<!tpu.dma_semaphore, #tpu.memory_space<semaphore_mem>>) src(%arg15 : memref<80x128xf32, #tpu.memory_space<vmem>>) dst(%dma_wait3A_369 : memref<80x128xf32, #tpu.memory_space<hbm>>)
      tpu.yield
    }) : () -> ()
    %add3A_309 = arith.constant 400 : i32
    %add3A_310 = arith.addi %mul3A_2, %add3A_309 : i32
    %dma_start3A_311 = arith.constant 5 : i32
    %dma_start3A_312 = arith.constant 0 : i32
    %dma_start3A_313 = tpu.memref_slice %arg11[%dma_start3A_311, %dma_start3A_312] : memref<8x80xi32, #tpu.memory_space<vmem>> -> memref<1x80xi32, #tpu.memory_space<vmem>>
    %dma_start3A_314 = tpu.memref_squeeze %dma_start3A_313 : memref<1x80xi32, #tpu.memory_space<vmem>> -> memref<80xi32, #tpu.memory_space<vmem>>
    %dma_start3A_315 = arith.constant 0 : i32
    %dma_start3A_316 = arith.constant 0 : i32
    %dma_start3A_317 = tpu.memref_slice %arg10[%dma_start3A_315, %dma_start3A_316] : memref<10240x128xf32, #tpu.memory_space<vmem_shared>> -> memref<10240x128xf32, #tpu.memory_space<vmem_shared>>
    tpu.enqueue_indirect_dma source(%dma_start3A_317 : memref<10240x128xf32, #tpu.memory_space<vmem_shared>>) target(%arg15 : memref<80x128xf32, #tpu.memory_space<vmem>>) offsets(%dma_start3A_314 : memref<80xi32, #tpu.memory_space<vmem>>) semaphore(%arg17 : memref<!tpu.dma_semaphore, #tpu.memory_space<semaphore_mem>>)
    %dma_wait3A_318 = arith.constant 5 : i32
    %dma_wait3A_319 = arith.constant 0 : i32
    %dma_wait3A_320 = tpu.memref_slice %arg11[%dma_wait3A_318, %dma_wait3A_319] : memref<8x80xi32, #tpu.memory_space<vmem>> -> memref<1x80xi32, #tpu.memory_space<vmem>>
    %dma_wait3A_321 = tpu.memref_squeeze %dma_wait3A_320 : memref<1x80xi32, #tpu.memory_space<vmem>> -> memref<80xi32, #tpu.memory_space<vmem>>
    %dma_wait3A_322 = arith.constant 0 : i32
    %dma_wait3A_323 = arith.constant 0 : i32
    %dma_wait3A_324 = tpu.memref_slice %arg10[%dma_wait3A_322, %dma_wait3A_323] : memref<10240x128xf32, #tpu.memory_space<vmem_shared>> -> memref<10240x128xf32, #tpu.memory_space<vmem_shared>>
    tpu.wait_indirect_dma semaphore(%arg17 : memref<!tpu.dma_semaphore, #tpu.memory_space<semaphore_mem>>) src(%dma_wait3A_324 : memref<10240x128xf32, #tpu.memory_space<vmem_shared>>) dst(%arg15 : memref<80x128xf32, #tpu.memory_space<vmem>>)
    "tpu.region"() ({
      %run_scoped3A_357 = tpu.sem_alloc : memref<!tpu.dma_semaphore, #tpu.memory_space<semaphore_mem>>
      %dma_start3A_358 = arith.constant 0 : i32
      %dma_start3A_359 = tpu.memref_slice %arg9[%arg0, %add3A_310, %dma_start3A_358] : memref<2x10240x128xf32, #tpu.memory_space<hbm>> -> memref<1x80x128xf32, #tpu.memory_space<hbm>>
      %dma_start3A_360 = tpu.memref_squeeze %dma_start3A_359 : memref<1x80x128xf32, #tpu.memory_space<hbm>> -> memref<80x128xf32, #tpu.memory_space<hbm>>
      %dma_start3A_361 = arith.constant 0 : i32
      %dma_start3A_362 = tpu.memref_slice %arg9[%arg0, %add3A_310, %dma_start3A_361] : memref<2x10240x128xf32, #tpu.memory_space<hbm>> -> memref<1x80x128xf32, #tpu.memory_space<hbm>>
      %dma_start3A_363 = tpu.memref_squeeze %dma_start3A_362 : memref<1x80x128xf32, #tpu.memory_space<hbm>> -> memref<80x128xf32, #tpu.memory_space<hbm>>
      tpu.enqueue_dma source(%arg15 : memref<80x128xf32, #tpu.memory_space<vmem>>) target(%dma_start3A_363 : memref<80x128xf32, #tpu.memory_space<hbm>>) target_semaphore(%run_scoped3A_357 : memref<!tpu.dma_semaphore, #tpu.memory_space<semaphore_mem>>)
      %dma_wait3A_364 = arith.constant 0 : i32
      %dma_wait3A_365 = tpu.memref_slice %arg9[%arg0, %add3A_310, %dma_wait3A_364] : memref<2x10240x128xf32, #tpu.memory_space<hbm>> -> memref<1x80x128xf32, #tpu.memory_space<hbm>>
      %dma_wait3A_366 = tpu.memref_squeeze %dma_wait3A_365 : memref<1x80x128xf32, #tpu.memory_space<hbm>> -> memref<80x128xf32, #tpu.memory_space<hbm>>
      %dma_wait3A_367 = arith.constant 0 : i32
      %dma_wait3A_368 = tpu.memref_slice %arg9[%arg0, %add3A_310, %dma_wait3A_367] : memref<2x10240x128xf32, #tpu.memory_space<hbm>> -> memref<1x80x128xf32, #tpu.memory_space<hbm>>
      %dma_wait3A_369 = tpu.memref_squeeze %dma_wait3A_368 : memref<1x80x128xf32, #tpu.memory_space<hbm>> -> memref<80x128xf32, #tpu.memory_space<hbm>>
      tpu.wait_dma2 semaphore(%run_scoped3A_357 : memref<!tpu.dma_semaphore, #tpu.memory_space<semaphore_mem>>) src(%arg15 : memref<80x128xf32, #tpu.memory_space<vmem>>) dst(%dma_wait3A_369 : memref<80x128xf32, #tpu.memory_space<hbm>>)
      tpu.yield
    }) : () -> ()
    %add3A_325 = arith.constant 480 : i32
    %add3A_326 = arith.addi %mul3A_2, %add3A_325 : i32
    %dma_start3A_327 = arith.constant 6 : i32
    %dma_start3A_328 = arith.constant 0 : i32
    %dma_start3A_329 = tpu.memref_slice %arg11[%dma_start3A_327, %dma_start3A_328] : memref<8x80xi32, #tpu.memory_space<vmem>> -> memref<1x80xi32, #tpu.memory_space<vmem>>
    %dma_start3A_330 = tpu.memref_squeeze %dma_start3A_329 : memref<1x80xi32, #tpu.memory_space<vmem>> -> memref<80xi32, #tpu.memory_space<vmem>>
    %dma_start3A_331 = arith.constant 0 : i32
    %dma_start3A_332 = arith.constant 0 : i32
    %dma_start3A_333 = tpu.memref_slice %arg10[%dma_start3A_331, %dma_start3A_332] : memref<10240x128xf32, #tpu.memory_space<vmem_shared>> -> memref<10240x128xf32, #tpu.memory_space<vmem_shared>>
    tpu.enqueue_indirect_dma source(%dma_start3A_333 : memref<10240x128xf32, #tpu.memory_space<vmem_shared>>) target(%arg15 : memref<80x128xf32, #tpu.memory_space<vmem>>) offsets(%dma_start3A_330 : memref<80xi32, #tpu.memory_space<vmem>>) semaphore(%arg17 : memref<!tpu.dma_semaphore, #tpu.memory_space<semaphore_mem>>)
    %dma_wait3A_334 = arith.constant 6 : i32
    %dma_wait3A_335 = arith.constant 0 : i32
    %dma_wait3A_336 = tpu.memref_slice %arg11[%dma_wait3A_334, %dma_wait3A_335] : memref<8x80xi32, #tpu.memory_space<vmem>> -> memref<1x80xi32, #tpu.memory_space<vmem>>
    %dma_wait3A_337 = tpu.memref_squeeze %dma_wait3A_336 : memref<1x80xi32, #tpu.memory_space<vmem>> -> memref<80xi32, #tpu.memory_space<vmem>>
    %dma_wait3A_338 = arith.constant 0 : i32
    %dma_wait3A_339 = arith.constant 0 : i32
    %dma_wait3A_340 = tpu.memref_slice %arg10[%dma_wait3A_338, %dma_wait3A_339] : memref<10240x128xf32, #tpu.memory_space<vmem_shared>> -> memref<10240x128xf32, #tpu.memory_space<vmem_shared>>
    tpu.wait_indirect_dma semaphore(%arg17 : memref<!tpu.dma_semaphore, #tpu.memory_space<semaphore_mem>>) src(%dma_wait3A_340 : memref<10240x128xf32, #tpu.memory_space<vmem_shared>>) dst(%arg15 : memref<80x128xf32, #tpu.memory_space<vmem>>)
    "tpu.region"() ({
      %run_scoped3A_357 = tpu.sem_alloc : memref<!tpu.dma_semaphore, #tpu.memory_space<semaphore_mem>>
      %dma_start3A_358 = arith.constant 0 : i32
      %dma_start3A_359 = tpu.memref_slice %arg9[%arg0, %add3A_326, %dma_start3A_358] : memref<2x10240x128xf32, #tpu.memory_space<hbm>> -> memref<1x80x128xf32, #tpu.memory_space<hbm>>
      %dma_start3A_360 = tpu.memref_squeeze %dma_start3A_359 : memref<1x80x128xf32, #tpu.memory_space<hbm>> -> memref<80x128xf32, #tpu.memory_space<hbm>>
      %dma_start3A_361 = arith.constant 0 : i32
      %dma_start3A_362 = tpu.memref_slice %arg9[%arg0, %add3A_326, %dma_start3A_361] : memref<2x10240x128xf32, #tpu.memory_space<hbm>> -> memref<1x80x128xf32, #tpu.memory_space<hbm>>
      %dma_start3A_363 = tpu.memref_squeeze %dma_start3A_362 : memref<1x80x128xf32, #tpu.memory_space<hbm>> -> memref<80x128xf32, #tpu.memory_space<hbm>>
      tpu.enqueue_dma source(%arg15 : memref<80x128xf32, #tpu.memory_space<vmem>>) target(%dma_start3A_363 : memref<80x128xf32, #tpu.memory_space<hbm>>) target_semaphore(%run_scoped3A_357 : memref<!tpu.dma_semaphore, #tpu.memory_space<semaphore_mem>>)
      %dma_wait3A_364 = arith.constant 0 : i32
      %dma_wait3A_365 = tpu.memref_slice %arg9[%arg0, %add3A_326, %dma_wait3A_364] : memref<2x10240x128xf32, #tpu.memory_space<hbm>> -> memref<1x80x128xf32, #tpu.memory_space<hbm>>
      %dma_wait3A_366 = tpu.memref_squeeze %dma_wait3A_365 : memref<1x80x128xf32, #tpu.memory_space<hbm>> -> memref<80x128xf32, #tpu.memory_space<hbm>>
      %dma_wait3A_367 = arith.constant 0 : i32
      %dma_wait3A_368 = tpu.memref_slice %arg9[%arg0, %add3A_326, %dma_wait3A_367] : memref<2x10240x128xf32, #tpu.memory_space<hbm>> -> memref<1x80x128xf32, #tpu.memory_space<hbm>>
      %dma_wait3A_369 = tpu.memref_squeeze %dma_wait3A_368 : memref<1x80x128xf32, #tpu.memory_space<hbm>> -> memref<80x128xf32, #tpu.memory_space<hbm>>
      tpu.wait_dma2 semaphore(%run_scoped3A_357 : memref<!tpu.dma_semaphore, #tpu.memory_space<semaphore_mem>>) src(%arg15 : memref<80x128xf32, #tpu.memory_space<vmem>>) dst(%dma_wait3A_369 : memref<80x128xf32, #tpu.memory_space<hbm>>)
      tpu.yield
    }) : () -> ()
    %add3A_341 = arith.constant 560 : i32
    %add3A_342 = arith.addi %mul3A_2, %add3A_341 : i32
    %dma_start3A_343 = arith.constant 7 : i32
    %dma_start3A_344 = arith.constant 0 : i32
    %dma_start3A_345 = tpu.memref_slice %arg11[%dma_start3A_343, %dma_start3A_344] : memref<8x80xi32, #tpu.memory_space<vmem>> -> memref<1x80xi32, #tpu.memory_space<vmem>>
    %dma_start3A_346 = tpu.memref_squeeze %dma_start3A_345 : memref<1x80xi32, #tpu.memory_space<vmem>> -> memref<80xi32, #tpu.memory_space<vmem>>
    %dma_start3A_347 = arith.constant 0 : i32
    %dma_start3A_348 = arith.constant 0 : i32
    %dma_start3A_349 = tpu.memref_slice %arg10[%dma_start3A_347, %dma_start3A_348] : memref<10240x128xf32, #tpu.memory_space<vmem_shared>> -> memref<10240x128xf32, #tpu.memory_space<vmem_shared>>
    tpu.enqueue_indirect_dma source(%dma_start3A_349 : memref<10240x128xf32, #tpu.memory_space<vmem_shared>>) target(%arg15 : memref<80x128xf32, #tpu.memory_space<vmem>>) offsets(%dma_start3A_346 : memref<80xi32, #tpu.memory_space<vmem>>) semaphore(%arg17 : memref<!tpu.dma_semaphore, #tpu.memory_space<semaphore_mem>>)
    %dma_wait3A_350 = arith.constant 7 : i32
    %dma_wait3A_351 = arith.constant 0 : i32
    %dma_wait3A_352 = tpu.memref_slice %arg11[%dma_wait3A_350, %dma_wait3A_351] : memref<8x80xi32, #tpu.memory_space<vmem>> -> memref<1x80xi32, #tpu.memory_space<vmem>>
    %dma_wait3A_353 = tpu.memref_squeeze %dma_wait3A_352 : memref<1x80xi32, #tpu.memory_space<vmem>> -> memref<80xi32, #tpu.memory_space<vmem>>
    %dma_wait3A_354 = arith.constant 0 : i32
    %dma_wait3A_355 = arith.constant 0 : i32
    %dma_wait3A_356 = tpu.memref_slice %arg10[%dma_wait3A_354, %dma_wait3A_355] : memref<10240x128xf32, #tpu.memory_space<vmem_shared>> -> memref<10240x128xf32, #tpu.memory_space<vmem_shared>>
    tpu.wait_indirect_dma semaphore(%arg17 : memref<!tpu.dma_semaphore, #tpu.memory_space<semaphore_mem>>) src(%dma_wait3A_356 : memref<10240x128xf32, #tpu.memory_space<vmem_shared>>) dst(%arg15 : memref<80x128xf32, #tpu.memory_space<vmem>>)
    "tpu.region"() ({
      %run_scoped3A_357 = tpu.sem_alloc : memref<!tpu.dma_semaphore, #tpu.memory_space<semaphore_mem>>
      %dma_start3A_358 = arith.constant 0 : i32
      %dma_start3A_359 = tpu.memref_slice %arg9[%arg0, %add3A_342, %dma_start3A_358] : memref<2x10240x128xf32, #tpu.memory_space<hbm>> -> memref<1x80x128xf32, #tpu.memory_space<hbm>>
      %dma_start3A_360 = tpu.memref_squeeze %dma_start3A_359 : memref<1x80x128xf32, #tpu.memory_space<hbm>> -> memref<80x128xf32, #tpu.memory_space<hbm>>
      %dma_start3A_361 = arith.constant 0 : i32
      %dma_start3A_362 = tpu.memref_slice %arg9[%arg0, %add3A_342, %dma_start3A_361] : memref<2x10240x128xf32, #tpu.memory_space<hbm>> -> memref<1x80x128xf32, #tpu.memory_space<hbm>>
      %dma_start3A_363 = tpu.memref_squeeze %dma_start3A_362 : memref<1x80x128xf32, #tpu.memory_space<hbm>> -> memref<80x128xf32, #tpu.memory_space<hbm>>
      tpu.enqueue_dma source(%arg15 : memref<80x128xf32, #tpu.memory_space<vmem>>) target(%dma_start3A_363 : memref<80x128xf32, #tpu.memory_space<hbm>>) target_semaphore(%run_scoped3A_357 : memref<!tpu.dma_semaphore, #tpu.memory_space<semaphore_mem>>)
      %dma_wait3A_364 = arith.constant 0 : i32
      %dma_wait3A_365 = tpu.memref_slice %arg9[%arg0, %add3A_342, %dma_wait3A_364] : memref<2x10240x128xf32, #tpu.memory_space<hbm>> -> memref<1x80x128xf32, #tpu.memory_space<hbm>>
      %dma_wait3A_366 = tpu.memref_squeeze %dma_wait3A_365 : memref<1x80x128xf32, #tpu.memory_space<hbm>> -> memref<80x128xf32, #tpu.memory_space<hbm>>
      %dma_wait3A_367 = arith.constant 0 : i32
      %dma_wait3A_368 = tpu.memref_slice %arg9[%arg0, %add3A_342, %dma_wait3A_367] : memref<2x10240x128xf32, #tpu.memory_space<hbm>> -> memref<1x80x128xf32, #tpu.memory_space<hbm>>
      %dma_wait3A_369 = tpu.memref_squeeze %dma_wait3A_368 : memref<1x80x128xf32, #tpu.memory_space<hbm>> -> memref<80x128xf32, #tpu.memory_space<hbm>>
      tpu.wait_dma2 semaphore(%run_scoped3A_357 : memref<!tpu.dma_semaphore, #tpu.memory_space<semaphore_mem>>) src(%arg15 : memref<80x128xf32, #tpu.memory_space<vmem>>) dst(%dma_wait3A_369 : memref<80x128xf32, #tpu.memory_space<hbm>>)
      tpu.yield
    }) : () -> ()
    return
  }
}

module attributes {stable_mosaic.version = 14 : i64} {
  func.func @_tc_body(%arg0: i32, %arg1: memref<2x1000x128xf32, #tpu.memory_space<vmem>>, %arg2: memref<2x1000x128xf32, #tpu.memory_space<vmem>>, %arg3: memref<1000x128xf32, #tpu.memory_space<vmem>>, %arg4: memref<256x128xf32, #tpu.memory_space<vmem>>, %arg5: memref<1x128xf32, #tpu.memory_space<vmem>>, %arg6: memref<1000x128xf32, #tpu.memory_space<vmem>>) attributes {dimension_semantics = [#tpu.dimension_semantics<arbitrary>], iteration_bounds = array<i64: 10>, scalar_prefetch = 0 : i64, scratch_operands = 0 : i64, tpu.core_type = #tpu.core_type<tc>, window_params = [{transform_indices = @transform_0, window_bounds = array<i64: 2, 1000, 128>}, {transform_indices = @transform_1, window_bounds = array<i64: 2, 1000, 128>}, {transform_indices = @transform_2, window_bounds = array<i64: 1000, 128>}, {pipeline_mode = #tpu.pipeline_mode<synchronous>, transform_indices = @transform_3, window_bounds = array<i64: 256, 128>}, {pipeline_mode = #tpu.pipeline_mode<synchronous>, transform_indices = @transform_4, window_bounds = array<i64: 1, 128>}, {transform_indices = @transform_5, window_bounds = array<i64: 1000, 128>}]} {
    %get3A = arith.constant 0 : index
    %get3A_0 = arith.constant 0 : index
    %get3A_1 = arith.constant 0 : index
    %get3A_2 = vector.load %arg1[%get3A, %get3A_0, %get3A_1] : memref<2x1000x128xf32, #tpu.memory_space<vmem>>, vector<1x1000x128xf32>
    %get3A_3 = vector.shape_cast %get3A_2 : vector<1x1000x128xf32> to vector<1000x128xf32>
    %get3A_4 = arith.constant 1 : index
    %get3A_5 = arith.constant 0 : index
    %get3A_6 = arith.constant 0 : index
    %get3A_7 = vector.load %arg1[%get3A_4, %get3A_5, %get3A_6] : memref<2x1000x128xf32, #tpu.memory_space<vmem>>, vector<1x1000x128xf32>
    %get3A_8 = vector.shape_cast %get3A_7 : vector<1x1000x128xf32> to vector<1000x128xf32>
    %add3A = arith.addf %get3A_3, %get3A_8 : vector<1000x128xf32>
    %get3A_9 = arith.constant 0 : index
    %get3A_10 = arith.constant 0 : index
    %get3A_11 = arith.constant 0 : index
    %get3A_12 = vector.load %arg2[%get3A_9, %get3A_10, %get3A_11] : memref<2x1000x128xf32, #tpu.memory_space<vmem>>, vector<1x1000x128xf32>
    %get3A_13 = vector.shape_cast %get3A_12 : vector<1x1000x128xf32> to vector<1000x128xf32>
    %get3A_14 = arith.constant 1 : index
    %get3A_15 = arith.constant 0 : index
    %get3A_16 = arith.constant 0 : index
    %get3A_17 = vector.load %arg2[%get3A_14, %get3A_15, %get3A_16] : memref<2x1000x128xf32, #tpu.memory_space<vmem>>, vector<1x1000x128xf32>
    %get3A_18 = vector.shape_cast %get3A_17 : vector<1x1000x128xf32> to vector<1000x128xf32>
    %add3A_19 = arith.addf %get3A_13, %get3A_18 : vector<1000x128xf32>
    %sub3A = arith.subf %add3A_19, %add3A : vector<1000x128xf32>
    %slice3A = vector.extract_strided_slice %sub3A {offsets = [0, 0], sizes = [1000, 1], strides = [1, 1]} : vector<1000x128xf32> to vector<1000x1xf32>
    %max3A = arith.constant 1.000000e+00 : f32
    %max3A_20 = vector.broadcast %max3A : f32 to vector<1000x1xf32>
    %max3A_21 = arith.maximumf %slice3A, %max3A_20 : vector<1000x1xf32>
    %div3A = arith.constant 1.000000e+00 : f32
    %div3A_22 = vector.broadcast %div3A : f32 to vector<1000x1xf32>
    %div3A_23 = arith.divf %div3A_22, %max3A_21 : vector<1000x1xf32>
    %mul3A = vector.broadcast %div3A_23 : vector<1000x1xf32> to vector<1000x128xf32>
    %mul3A_24 = arith.mulf %add3A, %mul3A : vector<1000x128xf32>
    %get3A_25 = arith.constant 0 : index
    %get3A_26 = arith.constant 0 : index
    %get3A_27 = vector.load %arg4[%get3A_25, %get3A_26] : memref<256x128xf32, #tpu.memory_space<vmem>>, vector<128x128xf32>
    %get3A_28 = arith.constant 128 : index
    %get3A_29 = arith.constant 0 : index
    %get3A_30 = vector.load %arg4[%get3A_28, %get3A_29] : memref<256x128xf32, #tpu.memory_space<vmem>>, vector<128x128xf32>
    %dot_general3A = arith.constant dense<0.000000e+00> : vector<1000x128xf32>
    %dot_general3A_31 = tpu.matmul %mul3A_24, %get3A_27, %dot_general3A {dimension_numbers = #tpu.dot_dimension_numbers<[1], [0], [0], [1], [0, 0, 1, 1], [], []>, transpose_lhs_hint = false} : vector<1000x128xf32>, vector<128x128xf32>, vector<1000x128xf32> -> vector<1000x128xf32>
    %get3A_32 = arith.constant 0 : index
    %get3A_33 = arith.constant 0 : index
    %get3A_34 = vector.load %arg3[%get3A_32, %get3A_33] : memref<1000x128xf32, #tpu.memory_space<vmem>>, vector<1000x128xf32>
    %dot_general3A_35 = arith.constant dense<0.000000e+00> : vector<1000x128xf32>
    %dot_general3A_36 = tpu.matmul %get3A_34, %get3A_30, %dot_general3A_35 {dimension_numbers = #tpu.dot_dimension_numbers<[1], [0], [0], [1], [0, 0, 1, 1], [], []>, transpose_lhs_hint = false} : vector<1000x128xf32>, vector<128x128xf32>, vector<1000x128xf32> -> vector<1000x128xf32>
    %add3A_37 = arith.addf %dot_general3A_31, %dot_general3A_36 : vector<1000x128xf32>
    %get3A_38 = arith.constant 0 : index
    %get3A_39 = arith.constant 0 : index
    %get3A_40 = vector.load %arg5[%get3A_38, %get3A_39] : memref<1x128xf32, #tpu.memory_space<vmem>>, vector<1x128xf32>
    %add3A_41 = vector.broadcast %get3A_40 : vector<1x128xf32> to vector<1000x128xf32>
    %add3A_42 = arith.addf %add3A_37, %add3A_41 : vector<1000x128xf32>
    %swap3A = arith.constant 0 : index
    %swap3A_43 = arith.constant 0 : index
    %swap3A_44 = vector.load %arg6[%swap3A, %swap3A_43] : memref<1000x128xf32, #tpu.memory_space<vmem>>, vector<1000x128xf32>
    tpu.vector_store %arg6[%swap3A, %swap3A_43], %add3A_42 {strides = array<i32>} : memref<1000x128xf32, #tpu.memory_space<vmem>>, vector<1000x128xf32>,
    return
  }
  func.func @transform_0(%arg0: i32) -> (i32, i32, i32) {
    %c0_i32 = arith.constant 0 : i32
    %c0_i32_0 = arith.constant 0 : i32
    %c0_i32_1 = arith.constant 0 : i32
    return %c0_i32, %arg0, %c0_i32_0 : i32, i32, i32
  }
  func.func @transform_1(%arg0: i32) -> (i32, i32, i32) {
    %c0_i32 = arith.constant 0 : i32
    %c0_i32_0 = arith.constant 0 : i32
    %c0_i32_1 = arith.constant 0 : i32
    return %c0_i32, %arg0, %c0_i32_0 : i32, i32, i32
  }
  func.func @transform_2(%arg0: i32) -> (i32, i32) {
    %c0_i32 = arith.constant 0 : i32
    %c0_i32_0 = arith.constant 0 : i32
    return %arg0, %c0_i32 : i32, i32
  }
  func.func @transform_3(%arg0: i32) -> (i32, i32) {
    %c0_i32 = arith.constant 0 : i32
    %c0_i32_0 = arith.constant 0 : i32
    %c0_i32_1 = arith.constant 0 : i32
    return %c0_i32, %c0_i32_0 : i32, i32
  }
  func.func @transform_4(%arg0: i32) -> (i32, i32) {
    %c0_i32 = arith.constant 0 : i32
    %c0_i32_0 = arith.constant 0 : i32
    %c0_i32_1 = arith.constant 0 : i32
    return %c0_i32, %c0_i32_0 : i32, i32
  }
  func.func @transform_5(%arg0: i32) -> (i32, i32) {
    %c0_i32 = arith.constant 0 : i32
    %c0_i32_0 = arith.constant 0 : i32
    return %arg0, %c0_i32 : i32, i32
  }
}

</mosaic_0001>

<sc_bundles>
// kernel: kernel.4.cloned.1.call-start
scs
__scs_entry_jumppad:
0x0: {  	(pc) =	sbr.rel $0x88, $3  }
0x1: {  	(tag) =	ssettag $0x0;
	lr =	simm.s32 $0x1  }
0x2: {  	[smem:$0x3F9D] =	sst lr;
	_ =	strace $0xD0000000  }
0x3: {  	_ = 	snop  }
0x4: {  	_ = 	snop  }
0x5: {  	_ = 	snop  }
0x6: {  	_ = 	snop  }
0x7: {  	_ = 	snop  }
__scs_overlays_trampoline_lowered:
0x8: {  	[smem:$0x3FAC] =	sst s0  }
0x9: {  	[smem:$0x3FAD] =	sst s1  }
0xa: {  	[smem:$0x3FAE] =	sst s2  }
0xb: {  	[smem:$0x3FAF] =	sst s3  }
0xc: {  	[smem:$0x3FB0] =	sst s4  }
0xd: {  	[smem:$0x3FB1] =	sst s5  }
0xe: {  	[smem:$0x3FB2] =	sst s6  }
0xf: {  	[smem:$0x3FB3] =	sst s7  }
0x10: {  	[smem:$0x3FB4] =	sst s8  }
0x11: {  	[smem:$0x3FB5] =	sst s9;
	s0 =	simm.s32 @!p0 $0x0  }
0x12: {  	s1 =	sld [smem:$0x3F9B];
	s0 =	simm.s32 @p0 $0x1  }
0x13: {  	[smem:$0x3FB6] =	sst s0;
	s0 =	simm.s32 @!p1 $0x0  }
0x14: {  	s2 =	sld [smem:$0x3F9A];
	s0 =	simm.s32 @p1 $0x1  }
0x15: {  	[smem:$0x3FB7] =	sst s0;
	s0 =	simm.s32 @!p2 $0x0  }
0x16: {  	s3 =	sld [smem:$0x3FDB];
	s0 =	simm.s32 @p2 $0x1  }
0x17: {  	s4 =	simm.s32 $0x1BF5;
	[smem:$0x3FB9] =	sst s0  }
0x18: {  	s0 =	sld [smem:$0x3F9C];
	_ =	swait.ge [sflag:s4], $0x0  }
0x19: {  	s7 =	sld [smem:$0x3F9D]  }
0x1a: {  	s8 =	sadd.s32 $0xFFFFE003, lr  }
0x1b: {  	s9 =	sadd.s32 $0xFFFFFEF7, lr;
	s5 =	simm.s32 $0xFFFFFFFF;
	p2 =	slt.u32 s8, $0xFFFFF086  }
0x1c: {  	p1 =	slt.u32 s9, $0xF7A;
	s5 =	simm.s32 @!p2 $0x0  }
0x1d: {  	s5 =	simm.s32 @p1 $0x1;
	p0 =	seq.s32 s7, s2  }
0x1e: {  	s7 =	smul.u32 @!p0 $0xF7A, s2;
	p2 =	seq.s32 @!p0 s5, $0x0  }
0x1f: {  	s9 =	smul.u32 $0xF7A, s1;
	s8 =	simm.s32 @!p0 $0x1BF5;
	p2 =	por !p2, p0  }
0x20: {  	[sflag:s8] =	ssyncset.s32 @!p0 $0xFFFFF086;
	s6 =	sadd.s32 @!p0 s3, s7;
	s7 =	simm.s32 @!p0 $0x108  }
0x21: {  	s3 =	sadd.s32 s3, s9;
	s6 =	sadd.s32 @!p0 $0x88, s6;
	s7 =	simm.s32 @p2 $0x1082  }
0x22: {  	[simem:s7], [sflag:s8] =	dma.local @!p0 [hbm:s6], $0xF7A  }
0x23: {  	s9 =	sor.u32 $0xD0000000, s2;
	s6 =	simm.s32 $0x108;
	_ =	swait.ge @!p0 [sflag:s8], $0x0  }
0x24: {  	s3 =	sadd.s32 $0x88, s3;
	s6 =	simm.s32 @!p1 $0x1082;
	[sflag:s4] =	ssyncset.s32 $0xFFFFF086  }
0x25: {  	[simem:s6], [sflag:s4] =	dma.local [hbm:s3], $0xF7A  }
0x26: {  	[smem:$0x3F9D] =	sst s1;
	(tag) =	ssettag s2;
	_ =	strace s9  }
0x27: {  	s1 =	sld [smem:$0x3FAD]  }
0x28: {  	s2 =	sld [smem:$0x3FAE]  }
0x29: {  	s4 =	sld [smem:$0x3FB0]  }
0x2a: {  	p0 =	seq.s32 s5, $0x0;
	s5 =	sld [smem:$0x3FB1]  }
0x2b: {  	s6 =	sld [smem:$0x3FB2]  }
0x2c: {  	s7 =	sld [smem:$0x3FB3]  }
0x2d: {  	s3 =	simm.s32 $0x108;
	s8 =	sld [smem:$0x3FB4]  }
0x2e: {  	s3 =	simm.s32 @!p0 $0x1082;
	s9 =	sld [smem:$0x3FB5]  }
0x2f: {  	lr =	sadd.s32 s0, s3;
	s0 =	sld [smem:$0x3FAC]  }
0x30: {  	s3 =	sld [smem:$0x3FAF]  }
0x31: {  	[smem:$0x3FB8] =	sst s10  }
0x32: {  	s10 =	sld [smem:$0x3FB6];
	_ =	sdelay $0x3  }
0x33: {  	p0 =	seq.s32 s10, $0x1;
	s10 =	sld [smem:$0x3FB8];
	_ =	sdelay $0x3  }
0x34: {  	[smem:$0x3FB8] =	sst s10  }
0x35: {  	s10 =	sld [smem:$0x3FB7];
	_ =	sdelay $0x3  }
0x36: {  	p1 =	seq.s32 s10, $0x1;
	s10 =	sld [smem:$0x3FB8];
	_ =	sdelay $0x3  }
0x37: {  	[smem:$0x3FB8] =	sst s10  }
0x38: {  	s10 =	sld [smem:$0x3FB9]  }
0x39: {  	_ = 	snop;
	(pc) =	sbr.ind lr, $3  }
0x3a: {  	_ = 	snop  }
0x3b: {  	_ = 	snop  }
0x3c: {  	p2 =	seq.s32 s10, $0x1;
	s10 =	sld [smem:$0x3FB8]  }
0x3d: {  	_ =	shalt  }
0x3e: {  	_ =	shalt  }
0x3f: {  	_ =	shalt  }
0x40: {  	_ =	shalt  }
0x41: {  	_ =	shalt  }
0x42: {  	_ =	shalt  }
0x43: {  	_ =	shalt  }
0x44: {  	_ =	shalt  }
0x45: {  	_ =	shalt  }
0x46: {  	_ =	shalt  }
0x47: {  	_ =	shalt  }
0x48: {  	_ =	shalt  }
0x49: {  	_ =	shalt  }
0x4a: {  	_ =	shalt  }
0x4b: {  	_ =	shalt  }
0x4c: {  	_ =	shalt  }
0x4d: {  	_ =	shalt  }
0x4e: {  	_ =	shalt  }
0x4f: {  	_ =	shalt  }
0x50: {  	_ =	shalt  }
0x51: {  	_ =	shalt  }
0x52: {  	_ =	shalt  }
0x53: {  	_ =	shalt  }
0x54: {  	_ =	shalt  }
0x55: {  	_ =	shalt  }
0x56: {  	_ =	shalt  }
0x57: {  	_ =	shalt  }
0x58: {  	_ =	shalt  }
0x59: {  	_ =	shalt  }
0x5a: {  	_ =	shalt  }
0x5b: {  	_ =	shalt  }
0x5c: {  	_ =	shalt  }
0x5d: {  	_ =	shalt  }
0x5e: {  	_ =	shalt  }
0x5f: {  	_ =	shalt  }
0x60: {  	_ =	shalt  }
0x61: {  	_ =	shalt  }
0x62: {  	_ =	shalt  }
0x63: {  	_ =	shalt  }
0x64: {  	_ =	shalt  }
0x65: {  	_ =	shalt  }
0x66: {  	_ =	shalt  }
0x67: {  	_ =	shalt  }
0x68: {  	_ =	shalt  }
0x69: {  	_ =	shalt  }
0x6a: {  	_ =	shalt  }
0x6b: {  	_ =	shalt  }
0x6c: {  	_ =	shalt  }
0x6d: {  	_ =	shalt  }
0x6e: {  	_ =	shalt  }
0x6f: {  	_ =	shalt  }
0x70: {  	_ =	shalt  }
0x71: {  	_ =	shalt  }
0x72: {  	_ =	shalt  }
0x73: {  	_ =	shalt  }
0x74: {  	_ =	shalt  }
0x75: {  	_ =	shalt  }
0x76: {  	_ =	shalt  }
0x77: {  	_ =	shalt  }
0x78: {  	_ =	shalt  }
0x79: {  	_ =	shalt  }
0x7a: {  	_ =	shalt  }
0x7b: {  	_ =	shalt  }
0x7c: {  	_ =	shalt  }
0x7d: {  	_ =	shalt  }
0x7e: {  	_ =	shalt  }
0x7f: {  	_ =	shalt  }
0x80: {  	_ =	shalt  }
0x81: {  	_ =	shalt  }
0x82: {  	_ =	shalt  }
0x83: {  	_ =	shalt  }
0x84: {  	_ =	shalt  }
0x85: {  	_ =	shalt  }
0x86: {  	_ =	shalt  }
0x87: {  	_ =	shalt  }
.Lfunc_end0:
.L_simem_size_0:
called_computation_lowered:
.L_overlay_start_0:
0x88: {  	s2 =	sld [smem:$0x3FD9]  }
0x89: {  	s3 =	sld [smem:$0x3FFE];
	_ =	sdelay $0x1  }
0x8a: {  	s1 =	srdreg.scid  }
0x8b: {  	s0 =	sand.u32 $0x1, s1  }
0x8c: {  	s17 =	sshll.u32 s0, $0xA;
	s2 =	sadd.s32 s3, s2  }
0x8d: {  	s2 =	sadd.s32 s2, s17  }
0x8e: {  	[smem:$0x3FC4] =	sst s2  }
0x8f: {  	_ = 	snop  }
0x90: {  	s2 =	sld [smem:$0x3FC9]  }
0x91: {  	s18 =	sld [smem:$0x3FD0];
	(tm) =	ssettm $0x1  }
0x92: {  	s4 =	sld [smem:$0x3FFB];
	_ =	sdelay $0x3  }
0x93: {  	_ =	strace s4  }
0x94: {  	s4 =	sld [smem:$0x3FFC];
	_ =	sdelay $0x3  }
0x95: {  	_ =	strace s4  }
0x96: {  	s4 =	sld [smem:$0x3FFD];
	_ =	sdelay $0x3  }
0x97: {  	_ =	strace s4  }
0x98: {  	_ =	strace $0x8FFFFFFF  }
0x99: {  	s19 =	sld [smem:$0x3FDB];
	_ =	sdelay $0x1  }
0x9a: {  	s5 =	simm.s32 $_scs_section_size  }
0x9b: {  	s6 =	simm.s32 $_size__tile_overlayer_lowered;
	s7 =	simm.s32 $_tile_overlayer_lowered  }
0x9c: {  	s22 =	simm.s32 $0x1BFF;
	s21 =	sshll.u32 s7, $0x1;
	s4 =	sadd.s32 s5, s19  }
0x9d: {  	s8 =	simm.s32 $0x0;
	s20 =	sshll.u32 s6, $0x1;
	s6 =	sadd.s32 s21, s4  }
0x9e: {  	[timem:s8], [sflag:s22] =	dma.local [hbm:s6], s20  }
0x9f: {  	_ =	swait.ge [sflag:s22], s20  }
0xa0: {  	s5 =	ssub.s32 $0x0, s20;
	[sflag:s22] =	ssyncset.done $0x0  }
0xa1: {  	[sflag:s22] =	ssyncadd.s32 s5;
	_ =	sdelay $0x1  }
0xa2: {  	s23 =	simm.s32 $0x1B8B  }
0xa3: {  	_ =	swait.ge [sflag:s23], $0x1  }
0xa4: {  	[sflag:s23] =	ssyncset.done $0x0  }
0xa5: {  	s25 =	simm.s32 $0x1B8E;
	s24 =	sld [smem:$0x3FFE];
	[sflag:s23] =	ssyncadd.s32 $0xFFFFFFFF  }
0xa6: {  	s26 =	simm.s32 $execute0_lowered;
	[smem:$0x3FD2] =	sst s25  }
0xa7: {  	s6 =	sshll.u32 s26, $0x1;
	_ =	strace $0x80000046;
	[dreg:$0x1] =	wrdreg $0xFFFFFFFF  }
0xa8: {  	s28 =	simm.s32 $_size_execute0_lowered;
	s4 =	sadd.s32 s4, s6;
	[dreg:$0x0] =	wrdreg $0x0  }
0xa9: {  	s6 =	sshll.u32 s28, $0x1;
	[dreg:$0x2] =	wrdreg s4  }
0xaa: {  	[dreg:$0x3] =	wrdreg s6  }
0xab: {  	[dreg:$0x4] =	wrdreg $0xC0  }
0xac: {  	_ =	task [dreg:s8], $0x5FFFF  }
0xad: {  	[dreg:$0x1] =	wrdreg $0xFFFFFFFF  }
0xae: {  	[dreg:$0x0] =	wrdreg $0x60  }
0xaf: {  	[dreg:$0x2] =	wrdreg s2  }
0xb0: {  	[dreg:$0x3] =	wrdreg s24  }
0xb1: {  	[dreg:$0x4] =	wrdreg s18  }
0xb2: {  	[dreg:$0x5] =	wrdreg $0x0  }
0xb3: {  	[dreg:$0x6] =	wrdreg $0x9  }
0xb4: {  	_ =	task.clear_ibuf [dreg:s8], $0x7FFFF;
	_ =	strace $0x90000046  }
0xb5: {  	s29 =	simm.s32 $0x9;
	_ =	strace $0x80000048  }
0xb6: {  	_ =	swait.ge [sflag:s29], $0x1  }
0xb7: {  	[sflag:s29] =	ssyncadd.s32 $0xFFFFFFFF  }
0xb8: {  	_ =	strace $0x90000048  }
0xb9: {  	_ =	sfence  }
0xba: {  	s30 =	sld [smem:$0x0];
	_ =	sdelay $0x2  }
0xbb: {  	s31 =	sshll.u32 s1, $0xD;
	s1 =	sshrl.u32 s1, $0x2  }
0xbc: {  	s3 =	sand.u32 $0x4000, s31;
	s1 =	sadd.s32 s1, s30  }
0xbd: {  	s0 =	sor.u32 s3, s0;
	s1 =	sshll.u32 s1, $0x11  }
0xbe: {  	s0 =	sor.u32 s1, s0  }
0xbf: {  	s0 =	sadd.s32 $0x8F2B, s0  }
0xc0: {  	[sflag:s0] =	ssyncadd.remote.s32 $0x1  }
0xc1: {  	_ =	sfence.sel $0xFFFF  }
0xc2: {  	[dreg:$0x0] =	wrdreg $0xFFFFFFFF;
	(pc) =	sbr.abs _section_cstart, $3  }
0xc3: {  	[dreg:$0x1] =	wrdreg $0xFFFFFFFF  }
0xc4: {  	_ =	task.clear_ibuf [dreg:s8], $0x2FFFF;
	_ =	strace $0x9FFFFFFF  }
0xc5: {  	(tm) =	ssettm $0x7FFFFFFF  }
tec
execute0_lowered:
.L_overlay_start_1:
0x0: {  	(tag) =	ssettag $0x1  }
0x1: {  	s0 =	rddreg [dreg:$0x0]  }
0x2: {  	s2 =	srdreg.scid;
	s16 =	stileid.u32  }
0x3: {  	s1 =	rddreg [dreg:$0x1];
	s4 =	sand.u32 $0x1, s2;
	s7 =	smul.u32 $0x14000, s16  }
0x4: {  	s3 =	rddreg [dreg:$0x2];
	s10 =	sshll.u32 s16, $0x1;
	s5 =	smul.u32 $0x140000, s4  }
0x5: {  	s31 =	simm.s32 $0x14500;
	s2 =	rddreg [dreg:$0x3];
	s10 =	sor.u32 s4, s10  }
0x6: {  	s6 =	sadd.s32 $0xC000, s1;
	s17 =	sshll.u32 s10, $0xB;
	s5 =	sadd.s32 s7, s5  }
0x7: {  	s8 =	sadd.s32 $0x5C000, s1;
	s3 =	sadd.s32 s3, s17;
	s5 =	sshrl.u32 s5, $0x3  }
0x8: {  	s9 =	ssub.s32 $0x2, s4;
	[dreg:$0x5] =	wrdreg s3;
	s18 =	sadd.s32 s6, s5  }
0x9: {  	s19 =	sor.u32 $0x500, s5;
	s21 =	sadd.s32 $0xA00, s5;
	s22 =	sadd.s32 $0xF00, s5  }
0xa: {  	s24 =	sadd.s32 $0x1400, s5;
	s25 =	sadd.s32 $0x1900, s5;
	s14 =	sadd.s32 $0x1E00, s5  }
0xb: {  	s28 =	sadd.s32 $0x2300, s5;
	s5 =	sadd.s32 s8, s5;
	[dreg:$0x6] =	wrdreg s18  }
0xc: {  	s4 =	smul.u32 $0x2710, s4;
	s20 =	sadd.s32 s6, s19;
	[dreg:$0xe] =	wrdreg s5  }
0xd: {  	s11 =	sshrl.u32 s9, $0x1;
	s12 =	sadd.s32 s6, s21;
	[dreg:$0x7] =	wrdreg s20  }
0xe: {  	s7 =	ssub.s32 s9, s11;
	s23 =	sadd.s32 s6, s22;
	[dreg:$0x8] =	wrdreg s12  }
0xf: {  	s11 =	smul.u32 $0x4E20, s16;
	s13 =	sadd.s32 s6, s24;
	[dreg:$0x9] =	wrdreg s23  }
0x10: {  	s15 =	sadd.s32 s6, s25;
	s26 =	sadd.s32 s6, s14;
	[dreg:$0xa] =	wrdreg s13  }
0x11: {  	s6 =	sadd.s32 s6, s28;
	s3 =	sadd.s32 s8, s19;
	[dreg:$0xb] =	wrdreg s15  }
0x12: {  	s9 =	sadd.s32 s8, s22;
	s17 =	sadd.s32 s8, s25;
	[dreg:$0xc] =	wrdreg s26  }
0x13: {  	s18 =	sadd.s32 s8, s14;
	s19 =	sadd.s32 s8, s28;
	[dreg:$0xd] =	wrdreg s6  }
0x14: {  	s22 =	sshll.u32 s16, $0x7;
	s28 =	smax.u32 s7, $0x1;
	[dreg:$0xf] =	wrdreg s3  }
0x15: {  	s7 =	simm.s32 $0x14180;
	s14 =	simm.s32 $0x1AD00;
	[dreg:$0x11] =	wrdreg s9  }
0x16: {  	s16 =	simm.s32 $0x1;
	s6 =	sadd.s32 s8, s21;
	[dreg:$0x13] =	wrdreg s17  }
0x17: {  	s12 =	sadd.s32 s8, s24;
	[dreg:$0x14] =	wrdreg s18;
	s20 =	simm.s32 $0x0  }
0x18: {  	[dreg:$0x15] =	wrdreg s19;
	s3 =	sadd.s32 s4, s11;
	s21 =	smul.u32 $0x2710, s10  }
0x19: {  	s5 =	sadd.s32 s22, s1;
	s22 =	sadd.s32 $0x1600, s1;
	s23 =	sadd.s32 $0xBA00, s1  }
0x1a: {  	s1 =	sadd.s32 $0xB400, s1;
	s15 =	simm.s32 $0x5;
	s4 =	simm.s32 $0x50  }
0x1b: {  	s8 =	simm.s32 $0x14200;
	s9 =	simm.s32 $0x14280;
	[dreg:$0x10] =	wrdreg s6  }
0x1c: {  	s10 =	simm.s32 $0x14300;
	s11 =	simm.s32 $0x14380;
	[dreg:$0x12] =	wrdreg s12  }
0x1d: {  	s13 =	simm.s32 $0x14480;
	s17 =	simm.s32 $0x2;
	[smem:$0x7FF] =	sst s20  }
0x1e: {  	s25 =	sadd.s32 $0x50, s3;
	s5 =	sadd.s32 $0xE00, s5;
	s29 =	sadd.s32 $0xA0, s3  }
0x1f: {  	s3 =	simm.s32 $0x18500;
	_ =	strace $0x80000047;
	[dreg:$0x16] =	wrdreg s23  }
0x20: {  	s6 =	simm.s32 $0x14100;
	s12 =	simm.s32 $0x14400;
	[dreg:$0x17] =	wrdreg s1  }
0x21: {  	s24 =	sshrl.u32 s21, $0x3;
	[dreg:$0x18] =	wrdreg s5;
	s26 =	sshrl.u32 s25, $0x3  }
0x22: {  	[dreg:$0x1a] =	wrdreg s28;
	s5 =	simm.s32 $0x14080;
	s21 =	simm.s32 $0x3  }
0x23: {  	s23 =	simm.s32 $0x4;
	s1 =	sadd.s32 s22, s24;
	s30 =	sadd.s32 s26, s22  }
0x24: {  	s24 =	simm.s32 $0x0;
	[dreg:$0x19] =	wrdreg s1;
	s1 =	simm.s32 $0x14000  }
.LBB2_1:
0x25: {  	s18 =	rddreg [dreg:$0x5]  }
0x26: {  	[tilespmem:s31], [sflag:$0x5] =	stream.linear.gather [hbm4b:s18+s20], $0x3E80, $0x38;
	[tilespmem:$0x1D500] =	vst v63  }
0x27: {  	_ =	swait.ge [sflag:s15], $0x3E80  }
0x28: {  	[sflag:s15] =	ssyncset.done $0x0  }
0x29: {  	s19 =	rddreg [dreg:$0x18];
	[sflag:s15] =	ssyncadd.s32 $0xFFFFC180  }
0x2a: {  	[tilespmem:s1], [sflag:$0x5] =	stream.linear.gather [hbm4b:s19+s20], $0x400, $0x38;
	[tilespmem:$0x1D500] =	vst v63  }
0x2b: {  	_ =	swait.ge [sflag:s15], $0x400  }
0x2c: {  	[sflag:s15] =	ssyncset.done $0x0  }
0x2d: {  	s25 =	rddreg [dreg:$0x16];
	[sflag:s15] =	ssyncadd.s32 $0xFFFFFC00  }
0x2e: {  	[tilespmem:s3], [sflag:$0x5] =	stream.linear.gather [hbm4b:s25+s20], $0x2800, $0x38;
	[tilespmem:$0x1D500] =	vst v63  }
0x2f: {  	_ =	swait.ge [sflag:s15], $0x2800  }
0x30: {  	[sflag:s15] =	ssyncset.done $0x0  }
0x31: {  	[sflag:s15] =	ssyncadd.s32 $0xFFFFD800  }
0x32: {  	[spmem:s2] =	stream.indirect.scatter [tilespmem:s3], [sflag:$0x5], $0x80, s1, s4, $0xb8;
	[tilespmem:$0x1D500] =	vst v63  }
0x33: {  	_ =	swait.ge [sflag:s15], $0x2800  }
0x34: {  	[sflag:s15] =	ssyncset.done $0x0  }
0x35: {  	[sflag:s15] =	ssyncadd.s32 $0xFFFFD800  }
0x36: {  	[spmem:s2] =	stream.indirect.scatter [tilespmem:s3], [sflag:$0x5], $0x80, s5, s4, $0xb8;
	[tilespmem:$0x1D500] =	vst v63  }
0x37: {  	_ =	swait.ge [sflag:s15], $0x2800  }
0x38: {  	[sflag:s15] =	ssyncset.done $0x0  }
0x39: {  	[sflag:s15] =	ssyncadd.s32 $0xFFFFD800  }
0x3a: {  	[spmem:s2] =	stream.indirect.scatter [tilespmem:s3], [sflag:$0x5], $0x80, s6, s4, $0xb8;
	[tilespmem:$0x1D500] =	vst v63  }
0x3b: {  	_ =	swait.ge [sflag:s15], $0x2800  }
0x3c: {  	[sflag:s15] =	ssyncset.done $0x0  }
0x3d: {  	[sflag:s15] =	ssyncadd.s32 $0xFFFFD800  }
0x3e: {  	[spmem:s2] =	stream.indirect.scatter [tilespmem:s3], [sflag:$0x5], $0x80, s7, s4, $0xb8;
	[tilespmem:$0x1D500] =	vst v63  }
0x3f: {  	_ =	swait.ge [sflag:s15], $0x2800  }
0x40: {  	[sflag:s15] =	ssyncset.done $0x0  }
0x41: {  	[sflag:s15] =	ssyncadd.s32 $0xFFFFD800  }
0x42: {  	[spmem:s2] =	stream.indirect.scatter [tilespmem:s3], [sflag:$0x5], $0x80, s8, s4, $0xb8;
	[tilespmem:$0x1D500] =	vst v63  }
0x43: {  	_ =	swait.ge [sflag:s15], $0x2800  }
0x44: {  	[sflag:s15] =	ssyncset.done $0x0  }
0x45: {  	[sflag:s15] =	ssyncadd.s32 $0xFFFFD800  }
0x46: {  	[spmem:s2] =	stream.indirect.scatter [tilespmem:s3], [sflag:$0x5], $0x80, s9, s4, $0xb8;
	[tilespmem:$0x1D500] =	vst v63  }
0x47: {  	_ =	swait.ge [sflag:s15], $0x2800  }
0x48: {  	[sflag:s15] =	ssyncset.done $0x0  }
0x49: {  	[sflag:s15] =	ssyncadd.s32 $0xFFFFD800  }
0x4a: {  	[spmem:s2] =	stream.indirect.scatter [tilespmem:s3], [sflag:$0x5], $0x80, s10, s4, $0xb8;
	[tilespmem:$0x1D500] =	vst v63  }
0x4b: {  	_ =	swait.ge [sflag:s15], $0x2800  }
0x4c: {  	[sflag:s15] =	ssyncset.done $0x0  }
0x4d: {  	[sflag:s15] =	ssyncadd.s32 $0xFFFFD800  }
0x4e: {  	[spmem:s2] =	stream.indirect.scatter [tilespmem:s3], [sflag:$0x5], $0x80, s11, s4, $0xb8;
	[tilespmem:$0x1D500] =	vst v63  }
0x4f: {  	_ =	swait.ge [sflag:s15], $0x2800  }
0x50: {  	[sflag:s15] =	ssyncset.done $0x0  }
0x51: {  	[sflag:s15] =	ssyncadd.s32 $0xFFFFD800  }
0x52: {  	[bflag:$0x0] =	sbarrier.arrive $0xFFFF  }
0x53: {  	s26 =	rddreg [dreg:$0x19]  }
0x54: {  	[tilespmem:s12], [sflag:$0x5] =	stream.linear.gather [hbm4b:s26+s20], $0x50, $0x38;
	[tilespmem:$0x1D500] =	vst v63  }
0x55: {  	_ =	swait.ge [sflag:s15], $0x50  }
0x56: {  	[sflag:s15] =	ssyncset.done $0x0  }
0x57: {  	[sflag:s15] =	ssyncadd.s32 $0xFFFFFFB0  }
0x58: {  	[tilespmem:s3], [sflag:$0x1] =	stream.indirect.gather [hbm4b:s0+s4], $0x80, s12, s4, $0xb8;
	[tilespmem:$0x1D500] =	vst v63  }
0x59: {  	s25 =	sadd.s32 $0x0, s30  }
0x5a: {  	[tilespmem:s13], [sflag:$0x5] =	stream.linear.gather [hbm4b:s25+s20], $0x50, $0x38;
	[tilespmem:$0x1D500] =	vst v63  }
0x5b: {  	_ =	swait.ge [sflag:s15], $0x50  }
0x5c: {  	[sflag:s15] =	ssyncset.done $0x0  }
0x5d: {  	[sflag:s15] =	ssyncadd.s32 $0xFFFFFFB0  }
0x5e: {  	[tilespmem:s14], [sflag:$0x2] =	stream.indirect.gather [hbm4b:s0+s4], $0x80, s13, s4, $0xb8;
	[tilespmem:$0x1D500] =	vst v63  }
0x5f: {  	_ =	swait.ge [sflag:s16], $0x2800  }
0x60: {  	[sflag:s16] =	ssyncset.done $0x0  }
0x61: {  	s18 =	simm.s32 $0x14500;
	[sflag:s16] =	ssyncadd.s32 $0xFFFFD800  }
0x62: {  	[spmem:s2] =	stream.indirect.scatter.add.f32 [tilespmem:s3], [sflag:$0x5], $0x80, s18, s4, $0xb8;
	[tilespmem:$0x1D500] =	vst v63  }
0x63: {  	_ =	swait.ge [sflag:s15], $0x2800  }
0x64: {  	s19 =	sshrl.u32 s29, $0x3;
	[sflag:s15] =	ssyncset.done $0x0  }
0x65: {  	s25 =	sadd.s32 s22, s19;
	[sflag:s15] =	ssyncadd.s32 $0xFFFFD800  }
0x66: {  	[tilespmem:s12], [sflag:$0x5] =	stream.linear.gather [hbm4b:s25+s20], $0x50, $0x38;
	[tilespmem:$0x1D500] =	vst v63  }
0x67: {  	_ =	swait.ge [sflag:s15], $0x50  }
0x68: {  	[sflag:s15] =	ssyncset.done $0x0  }
0x69: {  	[sflag:s15] =	ssyncadd.s32 $0xFFFFFFB0  }
0x6a: {  	[tilespmem:s3], [sflag:$0x1] =	stream.indirect.gather [hbm4b:s0+s4], $0x80, s12, s4, $0xb8;
	[tilespmem:$0x1D500] =	vst v63  }
0x6b: {  	_ =	swait.ge [sflag:s17], $0x2800  }
0x6c: {  	[sflag:s17] =	ssyncset.done $0x0  }
0x6d: {  	s26 =	simm.s32 $0x14580;
	[sflag:s17] =	ssyncadd.s32 $0xFFFFD800  }
0x6e: {  	[spmem:s2] =	stream.indirect.scatter.add.f32 [tilespmem:s14], [sflag:$0x5], $0x80, s26, s4, $0xb8;
	[tilespmem:$0x1D500] =	vst v63  }
0x6f: {  	s28 =	simm.s32 $0x28;
	s31 =	simm.s32 $0x14680;
	_ =	swait.ge [sflag:s15], $0x2800  }
0x70: {  	s25 =	sadd.s32 $0xA0, s29;
	s26 =	simm.s32 $0x14;
	[sflag:s15] =	ssyncset.done $0x0  }
.LBB2_2:
0x71: {  	s18 =	sadd.s32 s26, s30  }
0x72: {  	[sflag:s15] =	ssyncadd.s32 $0xFFFFD800;
	s26 =	smov.u32 s28;
	s19 =	sadd.s32 $0x14, s28  }
0x73: {  	[tilespmem:s13], [sflag:$0x5] =	stream.linear.gather [hbm4b:s18+s20], $0x50, $0x38;
	[tilespmem:$0x1D500] =	vst v63  }
0x74: {  	p0 =	sne.s32 s28, $0x4C4;
	_ =	swait.ge [sflag:s15], $0x50  }
0x75: {  	[sflag:s15] =	ssyncset.done $0x0  }
0x76: {  	[sflag:s15] =	ssyncadd.s32 $0xFFFFFFB0  }
0x77: {  	[tilespmem:s14], [sflag:$0x2] =	stream.indirect.gather [hbm4b:s0+s4], $0x80, s13, s4, $0xb8;
	[tilespmem:$0x1D500] =	vst v63  }
0x78: {  	_ =	swait.ge [sflag:s16], $0x2800  }
0x79: {  	[sflag:s16] =	ssyncset.done $0x0  }
0x7a: {  	s18 =	sadd.s32 $0xFFFFFF80, s31;
	[sflag:s16] =	ssyncadd.s32 $0xFFFFD800  }
0x7b: {  	[spmem:s2] =	stream.indirect.scatter.add.f32 [tilespmem:s3], [sflag:$0x5], $0x80, s18, s4, $0xb8;
	[tilespmem:$0x1D500] =	vst v63  }
0x7c: {  	_ =	swait.ge [sflag:s15], $0x2800  }
0x7d: {  	s18 =	sshrl.u32 s25, $0x3;
	[sflag:s15] =	ssyncset.done $0x0  }
0x7e: {  	s18 =	sadd.s32 s22, s18;
	[sflag:s15] =	ssyncadd.s32 $0xFFFFD800  }
0x7f: {  	[tilespmem:s12], [sflag:$0x5] =	stream.linear.gather [hbm4b:s18+s20], $0x50, $0x38;
	[tilespmem:$0x1D500] =	vst v63  }
0x80: {  	_ =	swait.ge [sflag:s15], $0x50  }
0x81: {  	[sflag:s15] =	ssyncset.done $0x0  }
0x82: {  	[sflag:s15] =	ssyncadd.s32 $0xFFFFFFB0  }
0x83: {  	[tilespmem:s3], [sflag:$0x1] =	stream.indirect.gather [hbm4b:s0+s4], $0x80, s12, s4, $0xb8;
	[tilespmem:$0x1D500] =	vst v63  }
0x84: {  	_ =	swait.ge [sflag:s17], $0x2800  }
.Ltmp0:
0x85: {  	[sflag:s17] =	ssyncset.done $0x0;
	(pc) =	sbr.rel @p0 .LBB2_2-.Ltmp0, $4  }
0x86: {  	[sflag:s17] =	ssyncadd.s32 $0xFFFFD800  }
0x87: {  	[spmem:s2] =	stream.indirect.scatter.add.f32 [tilespmem:s14], [sflag:$0x5], $0x80, s31, s4, $0xb8;
	[tilespmem:$0x1D500] =	vst v63  }
0x88: {  	s28 =	smov.u32 s19;
	_ =	swait.ge [sflag:s15], $0x2800  }
0x89: {  	s25 =	sadd.s32 $0xA0, s25;
	s31 =	sadd.s32 $0x100, s31;
	[sflag:s15] =	ssyncset.done $0x0  }
0x8a: {  	s18 =	sadd.s32 s26, s30;
	[sflag:s15] =	ssyncadd.s32 $0xFFFFD800  }
0x8b: {  	[tilespmem:s13], [sflag:$0x5] =	stream.linear.gather [hbm4b:s18+s20], $0x50, $0x38;
	[tilespmem:$0x1D500] =	vst v63  }
0x8c: {  	_ =	swait.ge [sflag:s15], $0x50  }
0x8d: {  	[sflag:s15] =	ssyncset.done $0x0  }
0x8e: {  	[sflag:s15] =	ssyncadd.s32 $0xFFFFFFB0  }
0x8f: {  	[tilespmem:s14], [sflag:$0x2] =	stream.indirect.gather [hbm4b:s0+s4], $0x80, s13, s4, $0xb8;
	[tilespmem:$0x1D500] =	vst v63  }
0x90: {  	_ =	swait.ge [sflag:s16], $0x2800  }
0x91: {  	[sflag:s16] =	ssyncset.done $0x0  }
0x92: {  	s26 =	sadd.s32 $0xFFFFFF80, s31;
	[sflag:s16] =	ssyncadd.s32 $0xFFFFD800  }
0x93: {  	[spmem:s2] =	stream.indirect.scatter.add.f32 [tilespmem:s3], [sflag:$0x5], $0x80, s26, s4, $0xb8;
	[tilespmem:$0x1D500] =	vst v63  }
0x94: {  	_ =	swait.ge [sflag:s15], $0x2800  }
0x95: {  	s28 =	sshrl.u32 s25, $0x3;
	[sflag:s15] =	ssyncset.done $0x0  }
0x96: {  	s18 =	sadd.s32 s22, s28;
	[sflag:s15] =	ssyncadd.s32 $0xFFFFD800  }
0x97: {  	[tilespmem:s12], [sflag:$0x5] =	stream.linear.gather [hbm4b:s18+s20], $0x50, $0x38;
	[tilespmem:$0x1D500] =	vst v63  }
0x98: {  	_ =	swait.ge [sflag:s15], $0x50  }
0x99: {  	[sflag:s15] =	ssyncset.done $0x0  }
0x9a: {  	[sflag:s15] =	ssyncadd.s32 $0xFFFFFFB0  }
0x9b: {  	[tilespmem:s3], [sflag:$0x1] =	stream.indirect.gather [hbm4b:s0+s4], $0x80, s12, s4, $0xb8;
	[tilespmem:$0x1D500] =	vst v63  }
0x9c: {  	_ =	swait.ge [sflag:s17], $0x2800  }
0x9d: {  	[sflag:s17] =	ssyncset.done $0x0  }
0x9e: {  	[sflag:s17] =	ssyncadd.s32 $0xFFFFD800  }
0x9f: {  	[spmem:s2] =	stream.indirect.scatter.add.f32 [tilespmem:s14], [sflag:$0x5], $0x80, s31, s4, $0xb8;
	[tilespmem:$0x1D500] =	vst v63  }
0xa0: {  	_ =	swait.ge [sflag:s15], $0x2800  }
0xa1: {  	[sflag:s15] =	ssyncset.done $0x0  }
0xa2: {  	[sflag:s15] =	ssyncadd.s32 $0xFFFFD800  }
0xa3: {  	_ =	swait.ge [sflag:s16], $0x2800  }
0xa4: {  	[sflag:s16] =	ssyncset.done $0x0  }
0xa5: {  	s19 =	simm.s32 $0x18300;
	[sflag:s16] =	ssyncadd.s32 $0xFFFFD800  }
0xa6: {  	[spmem:s2] =	stream.indirect.scatter.add.f32 [tilespmem:s3], [sflag:$0x5], $0x80, s19, s4, $0xb8;
	[tilespmem:$0x1D500] =	vst v63  }
0xa7: {  	_ =	swait.ge [sflag:s15], $0x2800  }
0xa8: {  	[sflag:s15] =	ssyncset.done $0x0  }
0xa9: {  	[sflag:s15] =	ssyncadd.s32 $0xFFFFD800  }
0xaa: {  	[bflag:$0x0] =	sbarrier.arrive $0xFFFF  }
0xab: {  	[tilespmem:s3], [sflag:$0x1] =	stream.indirect.gather [spmem:s2], $0x80, s1, s4, $0xb8;
	[tilespmem:$0x1D500] =	vst v63  }
0xac: {  	_ =	swait.ge [sflag:s16], $0x2800  }
0xad: {  	[sflag:s16] =	ssyncset.done $0x0  }
0xae: {  	s25 =	rddreg [dreg:$0x6];
	[sflag:s16] =	ssyncadd.s32 $0xFFFFD800  }
0xaf: {  	[hbm4b:s25+s20] =	stream.linear.scatter [tilespmem:s3], [sflag:$0x5], $0x2800, $0x38;
	[tilespmem:$0x1D500] =	vst v63  }
0xb0: {  	_ =	swait.ge [sflag:s15], $0x2800  }
0xb1: {  	[sflag:s15] =	ssyncset.done $0x0  }
0xb2: {  	[sflag:s15] =	ssyncadd.s32 $0xFFFFD800  }
0xb3: {  	[tilespmem:s3], [sflag:$0x1] =	stream.indirect.gather [spmem:s2], $0x80, s5, s4, $0xb8;
	[tilespmem:$0x1D500] =	vst v63  }
0xb4: {  	_ =	swait.ge [sflag:s16], $0x2800  }
0xb5: {  	[sflag:s16] =	ssyncset.done $0x0  }
0xb6: {  	s26 =	rddreg [dreg:$0x7];
	[sflag:s16] =	ssyncadd.s32 $0xFFFFD800  }
0xb7: {  	[hbm4b:s26+s20] =	stream.linear.scatter [tilespmem:s3], [sflag:$0x5], $0x2800, $0x38;
	[tilespmem:$0x1D500] =	vst v63  }
0xb8: {  	_ =	swait.ge [sflag:s15], $0x2800  }
0xb9: {  	[sflag:s15] =	ssyncset.done $0x0  }
0xba: {  	[sflag:s15] =	ssyncadd.s32 $0xFFFFD800  }
0xbb: {  	[tilespmem:s3], [sflag:$0x1] =	stream.indirect.gather [spmem:s2], $0x80, s6, s4, $0xb8;
	[tilespmem:$0x1D500] =	vst v63  }
0xbc: {  	_ =	swait.ge [sflag:s16], $0x2800  }
0xbd: {  	[sflag:s16] =	ssyncset.done $0x0  }
0xbe: {  	s28 =	rddreg [dreg:$0x8];
	[sflag:s16] =	ssyncadd.s32 $0xFFFFD800  }
0xbf: {  	[hbm4b:s28+s20] =	stream.linear.scatter [tilespmem:s3], [sflag:$0x5], $0x2800, $0x38;
	[tilespmem:$0x1D500] =	vst v63  }
0xc0: {  	_ =	swait.ge [sflag:s15], $0x2800  }
0xc1: {  	[sflag:s15] =	ssyncset.done $0x0  }
0xc2: {  	[sflag:s15] =	ssyncadd.s32 $0xFFFFD800  }
0xc3: {  	[tilespmem:s3], [sflag:$0x1] =	stream.indirect.gather [spmem:s2], $0x80, s7, s4, $0xb8;
	[tilespmem:$0x1D500] =	vst v63  }
0xc4: {  	_ =	swait.ge [sflag:s16], $0x2800  }
0xc5: {  	[sflag:s16] =	ssyncset.done $0x0  }
0xc6: {  	s19 =	rddreg [dreg:$0x9];
	[sflag:s16] =	ssyncadd.s32 $0xFFFFD800  }
0xc7: {  	[hbm4b:s19+s20] =	stream.linear.scatter [tilespmem:s3], [sflag:$0x5], $0x2800, $0x38;
	[tilespmem:$0x1D500] =	vst v63  }
0xc8: {  	_ =	swait.ge [sflag:s15], $0x2800  }
0xc9: {  	[sflag:s15] =	ssyncset.done $0x0  }
0xca: {  	[sflag:s15] =	ssyncadd.s32 $0xFFFFD800  }
0xcb: {  	[tilespmem:s3], [sflag:$0x1] =	stream.indirect.gather [spmem:s2], $0x80, s8, s4, $0xb8;
	[tilespmem:$0x1D500] =	vst v63  }
0xcc: {  	_ =	swait.ge [sflag:s16], $0x2800  }
0xcd: {  	[sflag:s16] =	ssyncset.done $0x0  }
0xce: {  	s25 =	rddreg [dreg:$0xa];
	[sflag:s16] =	ssyncadd.s32 $0xFFFFD800  }
0xcf: {  	[hbm4b:s25+s20] =	stream.linear.scatter [tilespmem:s3], [sflag:$0x5], $0x2800, $0x38;
	[tilespmem:$0x1D500] =	vst v63  }
0xd0: {  	_ =	swait.ge [sflag:s15], $0x2800  }
0xd1: {  	[sflag:s15] =	ssyncset.done $0x0  }
0xd2: {  	[sflag:s15] =	ssyncadd.s32 $0xFFFFD800  }
0xd3: {  	[tilespmem:s3], [sflag:$0x1] =	stream.indirect.gather [spmem:s2], $0x80, s9, s4, $0xb8;
	[tilespmem:$0x1D500] =	vst v63  }
0xd4: {  	_ =	swait.ge [sflag:s16], $0x2800  }
0xd5: {  	[sflag:s16] =	ssyncset.done $0x0  }
0xd6: {  	s26 =	rddreg [dreg:$0xb];
	[sflag:s16] =	ssyncadd.s32 $0xFFFFD800  }
0xd7: {  	[hbm4b:s26+s20] =	stream.linear.scatter [tilespmem:s3], [sflag:$0x5], $0x2800, $0x38;
	[tilespmem:$0x1D500] =	vst v63  }
0xd8: {  	_ =	swait.ge [sflag:s15], $0x2800  }
0xd9: {  	[sflag:s15] =	ssyncset.done $0x0  }
0xda: {  	[sflag:s15] =	ssyncadd.s32 $0xFFFFD800  }
0xdb: {  	[tilespmem:s3], [sflag:$0x1] =	stream.indirect.gather [spmem:s2], $0x80, s10, s4, $0xb8;
	[tilespmem:$0x1D500] =	vst v63  }
0xdc: {  	_ =	swait.ge [sflag:s16], $0x2800  }
0xdd: {  	[sflag:s16] =	ssyncset.done $0x0  }
0xde: {  	s28 =	rddreg [dreg:$0xc];
	[sflag:s16] =	ssyncadd.s32 $0xFFFFD800  }
0xdf: {  	[hbm4b:s28+s20] =	stream.linear.scatter [tilespmem:s3], [sflag:$0x5], $0x2800, $0x38;
	[tilespmem:$0x1D500] =	vst v63  }
0xe0: {  	_ =	swait.ge [sflag:s15], $0x2800  }
0xe1: {  	[sflag:s15] =	ssyncset.done $0x0  }
0xe2: {  	[sflag:s15] =	ssyncadd.s32 $0xFFFFD800  }
0xe3: {  	[tilespmem:s3], [sflag:$0x1] =	stream.indirect.gather [spmem:s2], $0x80, s11, s4, $0xb8;
	[tilespmem:$0x1D500] =	vst v63  }
0xe4: {  	_ =	swait.ge [sflag:s16], $0x2800  }
0xe5: {  	[sflag:s16] =	ssyncset.done $0x0  }
0xe6: {  	s19 =	rddreg [dreg:$0xd];
	[sflag:s16] =	ssyncadd.s32 $0xFFFFD800  }
0xe7: {  	[hbm4b:s19+s20] =	stream.linear.scatter [tilespmem:s3], [sflag:$0x5], $0x2800, $0x38;
	[tilespmem:$0x1D500] =	vst v63  }
0xe8: {  	_ =	swait.ge [sflag:s15], $0x2800  }
0xe9: {  	[sflag:s15] =	ssyncset.done $0x0  }
0xea: {  	s25 =	rddreg [dreg:$0x17];
	[sflag:s15] =	ssyncadd.s32 $0xFFFFD800  }
0xeb: {  	[tilespmem:s14], [sflag:$0x5] =	stream.linear.gather [hbm4b:s25+s20], $0x2800, $0x38;
	[tilespmem:$0x1D500] =	vst v63  }
0xec: {  	_ =	swait.ge [sflag:s15], $0x2800  }
0xed: {  	[sflag:s15] =	ssyncset.done $0x0  }
0xee: {  	[sflag:s15] =	ssyncadd.s32 $0xFFFFD800  }
0xef: {  	s31 =	simm.s32 $0x14500;
	[bflag:$0x0] =	sbarrier.arrive $0xFFFF  }
0xf0: {  	[spmem:s2] =	stream.indirect.scatter.add.f32 [tilespmem:s14], [sflag:$0x1], $0x80, s31, s4, $0xb8;
	[tilespmem:$0x1D500] =	vst v63  }
0xf1: {  	s26 =	simm.s32 $0x14580  }
0xf2: {  	[spmem:s2] =	stream.indirect.scatter.add.f32 [tilespmem:s14], [sflag:$0x2], $0x80, s26, s4, $0xb8;
	[tilespmem:$0x1D500] =	vst v63  }
0xf3: {  	s28 =	simm.s32 $0x14600  }
0xf4: {  	[spmem:s2] =	stream.indirect.scatter.add.f32 [tilespmem:s14], [sflag:$0x3], $0x80, s28, s4, $0xb8;
	[tilespmem:$0x1D500] =	vst v63  }
0xf5: {  	s19 =	simm.s32 $0x14680  }
0xf6: {  	[spmem:s2] =	stream.indirect.scatter.add.f32 [tilespmem:s14], [sflag:$0x4], $0x80, s19, s4, $0xb8;
	[tilespmem:$0x1D500] =	vst v63  }
0xf7: {  	_ =	swait.ge [sflag:s16], $0x2800  }
0xf8: {  	[sflag:s16] =	ssyncset.done $0x0  }
0xf9: {  	s25 =	simm.s32 $0x14700;
	[sflag:s16] =	ssyncadd.s32 $0xFFFFD800  }
0xfa: {  	[spmem:s2] =	stream.indirect.scatter.add.f32 [tilespmem:s14], [sflag:$0x1], $0x80, s25, s4, $0xb8;
	[tilespmem:$0x1D500] =	vst v63  }
0xfb: {  	_ =	swait.ge [sflag:s17], $0x2800  }
0xfc: {  	[sflag:s17] =	ssyncset.done $0x0  }
0xfd: {  	s26 =	simm.s32 $0x14780;
	[sflag:s17] =	ssyncadd.s32 $0xFFFFD800  }
0xfe: {  	[spmem:s2] =	stream.indirect.scatter.add.f32 [tilespmem:s14], [sflag:$0x2], $0x80, s26, s4, $0xb8;
	[tilespmem:$0x1D500] =	vst v63  }
0xff: {  	_ =	swait.ge [sflag:s21], $0x2800  }
0x100: {  	[sflag:s21] =	ssyncset.done $0x0  }
0x101: {  	s28 =	simm.s32 $0x14800;
	[sflag:s21] =	ssyncadd.s32 $0xFFFFD800  }
0x102: {  	[spmem:s2] =	stream.indirect.scatter.add.f32 [tilespmem:s14], [sflag:$0x3], $0x80, s28, s4, $0xb8;
	[tilespmem:$0x1D500] =	vst v63  }
0x103: {  	_ =	swait.ge [sflag:s23], $0x2800  }
0x104: {  	s25 =	simm.s32 $0xFFFFC600;
	s26 =	simm.s32 $0xFFFF2000;
	[sflag:s23] =	ssyncset.done $0x0  }
.LBB2_4:
0x105: {  	s18 =	sadd.s32 $0x18280, s25  }
0x106: {  	[sflag:s23] =	ssyncadd.s32 $0xFFFFD800;
	s19 =	smov.u32 s26;
	s28 =	sadd.s32 $0x800, s26  }
0x107: {  	[spmem:s2] =	stream.indirect.scatter.add.f32 [tilespmem:s14], [sflag:$0x4], $0x80, s18, s4, $0xb8;
	[tilespmem:$0x1D500] =	vst v63  }
0x108: {  	p0 =	sne.s32 s26, $0xFFFFF800;
	_ =	swait.ge [sflag:s16], $0x2800  }
0x109: {  	[sflag:s16] =	ssyncset.done $0x0  }
0x10a: {  	s18 =	sadd.s32 $0x18300, s25;
	[sflag:s16] =	ssyncadd.s32 $0xFFFFD800  }
0x10b: {  	[spmem:s2] =	stream.indirect.scatter.add.f32 [tilespmem:s14], [sflag:$0x1], $0x80, s18, s4, $0xb8;
	[tilespmem:$0x1D500] =	vst v63  }
0x10c: {  	_ =	swait.ge [sflag:s17], $0x2800  }
0x10d: {  	[sflag:s17] =	ssyncset.done $0x0  }
0x10e: {  	s18 =	sadd.s32 $0x18380, s25;
	[sflag:s17] =	ssyncadd.s32 $0xFFFFD800  }
0x10f: {  	[spmem:s2] =	stream.indirect.scatter.add.f32 [tilespmem:s14], [sflag:$0x2], $0x80, s18, s4, $0xb8;
	[tilespmem:$0x1D500] =	vst v63  }
0x110: {  	_ =	swait.ge [sflag:s21], $0x2800  }
.Ltmp1:
0x111: {  	[sflag:s21] =	ssyncset.done $0x0;
	(pc) =	sbr.rel @p0 .LBB2_4-.Ltmp1, $4  }
0x112: {  	s18 =	sadd.s32 $0x18400, s25;
	[sflag:s21] =	ssyncadd.s32 $0xFFFFD800  }
0x113: {  	[spmem:s2] =	stream.indirect.scatter.add.f32 [tilespmem:s14], [sflag:$0x3], $0x80, s18, s4, $0xb8;
	[tilespmem:$0x1D500] =	vst v63  }
0x114: {  	_ =	swait.ge [sflag:s23], $0x2800  }
0x115: {  	s26 =	smov.u32 s28;
	s25 =	sshra.s32 s19, $0x2;
	[sflag:s23] =	ssyncset.done $0x0  }
0x116: {  	s18 =	sadd.s32 $0x18280, s25;
	[sflag:s23] =	ssyncadd.s32 $0xFFFFD800  }
0x117: {  	[spmem:s2] =	stream.indirect.scatter.add.f32 [tilespmem:s14], [sflag:$0x4], $0x80, s18, s4, $0xb8;
	[tilespmem:$0x1D500] =	vst v63  }
0x118: {  	_ =	swait.ge [sflag:s16], $0x2800  }
0x119: {  	[sflag:s16] =	ssyncset.done $0x0  }
0x11a: {  	s26 =	sadd.s32 $0x18300, s25;
	[sflag:s16] =	ssyncadd.s32 $0xFFFFD800  }
0x11b: {  	[spmem:s2] =	stream.indirect.scatter.add.f32 [tilespmem:s14], [sflag:$0x1], $0x80, s26, s4, $0xb8;
	[tilespmem:$0x1D500] =	vst v63  }
0x11c: {  	_ =	swait.ge [sflag:s17], $0x2800  }
0x11d: {  	[sflag:s17] =	ssyncset.done $0x0  }
0x11e: {  	s28 =	sadd.s32 $0x18380, s25;
	[sflag:s17] =	ssyncadd.s32 $0xFFFFD800  }
0x11f: {  	[spmem:s2] =	stream.indirect.scatter.add.f32 [tilespmem:s14], [sflag:$0x2], $0x80, s28, s4, $0xb8;
	[tilespmem:$0x1D500] =	vst v63  }
0x120: {  	_ =	swait.ge [sflag:s21], $0x2800  }
0x121: {  	[sflag:s21] =	ssyncset.done $0x0  }
0x122: {  	s19 =	sadd.s32 $0x18400, s25;
	[sflag:s21] =	ssyncadd.s32 $0xFFFFD800  }
0x123: {  	[spmem:s2] =	stream.indirect.scatter.add.f32 [tilespmem:s14], [sflag:$0x3], $0x80, s19, s4, $0xb8;
	[tilespmem:$0x1D500] =	vst v63  }
0x124: {  	_ =	swait.ge [sflag:s23], $0x2800  }
0x125: {  	[sflag:s23] =	ssyncset.done $0x0  }
0x126: {  	s25 =	simm.s32 $0x18280;
	[sflag:s23] =	ssyncadd.s32 $0xFFFFD800  }
0x127: {  	[spmem:s2] =	stream.indirect.scatter.add.f32 [tilespmem:s14], [sflag:$0x4], $0x80, s25, s4, $0xb8;
	[tilespmem:$0x1D500] =	vst v63  }
0x128: {  	_ =	swait.ge [sflag:s16], $0x2800  }
0x129: {  	[sflag:s16] =	ssyncset.done $0x0  }
0x12a: {  	s26 =	simm.s32 $0x18300;
	[sflag:s16] =	ssyncadd.s32 $0xFFFFD800  }
0x12b: {  	[spmem:s2] =	stream.indirect.scatter.add.f32 [tilespmem:s14], [sflag:$0x1], $0x80, s26, s4, $0xb8;
	[tilespmem:$0x1D500] =	vst v63  }
0x12c: {  	_ =	swait.ge [sflag:s17], $0x2800  }
0x12d: {  	[sflag:s17] =	ssyncset.done $0x0  }
0x12e: {  	[sflag:s17] =	ssyncadd.s32 $0xFFFFD800  }
0x12f: {  	_ =	swait.ge [sflag:s21], $0x2800  }
0x130: {  	[sflag:s21] =	ssyncset.done $0x0  }
0x131: {  	[sflag:s21] =	ssyncadd.s32 $0xFFFFD800  }
0x132: {  	_ =	swait.ge [sflag:s23], $0x2800  }
0x133: {  	[sflag:s23] =	ssyncset.done $0x0  }
0x134: {  	[sflag:s23] =	ssyncadd.s32 $0xFFFFD800  }
0x135: {  	_ =	swait.ge [sflag:s16], $0x2800  }
0x136: {  	[sflag:s16] =	ssyncset.done $0x0  }
0x137: {  	[sflag:s16] =	ssyncadd.s32 $0xFFFFD800  }
0x138: {  	[bflag:$0x0] =	sbarrier.arrive $0xFFFF  }
0x139: {  	[tilespmem:s3], [sflag:$0x1] =	stream.indirect.gather [spmem:s2], $0x80, s1, s4, $0xb8;
	[tilespmem:$0x1D500] =	vst v63  }
0x13a: {  	_ =	swait.ge [sflag:s16], $0x2800  }
0x13b: {  	[sflag:s16] =	ssyncset.done $0x0  }
0x13c: {  	s28 =	rddreg [dreg:$0xe];
	[sflag:s16] =	ssyncadd.s32 $0xFFFFD800  }
0x13d: {  	[hbm4b:s28+s20] =	stream.linear.scatter [tilespmem:s3], [sflag:$0x5], $0x2800, $0x38;
	[tilespmem:$0x1D500] =	vst v63  }
0x13e: {  	_ =	swait.ge [sflag:s15], $0x2800  }
0x13f: {  	[sflag:s15] =	ssyncset.done $0x0  }
0x140: {  	[sflag:s15] =	ssyncadd.s32 $0xFFFFD800  }
0x141: {  	[tilespmem:s3], [sflag:$0x1] =	stream.indirect.gather [spmem:s2], $0x80, s5, s4, $0xb8;
	[tilespmem:$0x1D500] =	vst v63  }
0x142: {  	_ =	swait.ge [sflag:s16], $0x2800  }
0x143: {  	[sflag:s16] =	ssyncset.done $0x0  }
0x144: {  	s19 =	rddreg [dreg:$0xf];
	[sflag:s16] =	ssyncadd.s32 $0xFFFFD800  }
0x145: {  	[hbm4b:s19+s20] =	stream.linear.scatter [tilespmem:s3], [sflag:$0x5], $0x2800, $0x38;
	[tilespmem:$0x1D500] =	vst v63  }
0x146: {  	_ =	swait.ge [sflag:s15], $0x2800  }
0x147: {  	[sflag:s15] =	ssyncset.done $0x0  }
0x148: {  	[sflag:s15] =	ssyncadd.s32 $0xFFFFD800  }
0x149: {  	[tilespmem:s3], [sflag:$0x1] =	stream.indirect.gather [spmem:s2], $0x80, s6, s4, $0xb8;
	[tilespmem:$0x1D500] =	vst v63  }
0x14a: {  	_ =	swait.ge [sflag:s16], $0x2800  }
0x14b: {  	[sflag:s16] =	ssyncset.done $0x0  }
0x14c: {  	s25 =	rddreg [dreg:$0x10];
	[sflag:s16] =	ssyncadd.s32 $0xFFFFD800  }
0x14d: {  	[hbm4b:s25+s20] =	stream.linear.scatter [tilespmem:s3], [sflag:$0x5], $0x2800, $0x38;
	[tilespmem:$0x1D500] =	vst v63  }
0x14e: {  	_ =	swait.ge [sflag:s15], $0x2800  }
0x14f: {  	[sflag:s15] =	ssyncset.done $0x0  }
0x150: {  	[sflag:s15] =	ssyncadd.s32 $0xFFFFD800  }
0x151: {  	[tilespmem:s3], [sflag:$0x1] =	stream.indirect.gather [spmem:s2], $0x80, s7, s4, $0xb8;
	[tilespmem:$0x1D500] =	vst v63  }
0x152: {  	_ =	swait.ge [sflag:s16], $0x2800  }
0x153: {  	[sflag:s16] =	ssyncset.done $0x0  }
0x154: {  	s26 =	rddreg [dreg:$0x11];
	[sflag:s16] =	ssyncadd.s32 $0xFFFFD800  }
0x155: {  	[hbm4b:s26+s20] =	stream.linear.scatter [tilespmem:s3], [sflag:$0x5], $0x2800, $0x38;
	[tilespmem:$0x1D500] =	vst v63  }
0x156: {  	_ =	swait.ge [sflag:s15], $0x2800  }
0x157: {  	[sflag:s15] =	ssyncset.done $0x0  }
0x158: {  	[sflag:s15] =	ssyncadd.s32 $0xFFFFD800  }
0x159: {  	[tilespmem:s3], [sflag:$0x1] =	stream.indirect.gather [spmem:s2], $0x80, s8, s4, $0xb8;
	[tilespmem:$0x1D500] =	vst v63  }
0x15a: {  	_ =	swait.ge [sflag:s16], $0x2800  }
0x15b: {  	[sflag:s16] =	ssyncset.done $0x0  }
0x15c: {  	s28 =	rddreg [dreg:$0x12];
	[sflag:s16] =	ssyncadd.s32 $0xFFFFD800  }
0x15d: {  	[hbm4b:s28+s20] =	stream.linear.scatter [tilespmem:s3], [sflag:$0x5], $0x2800, $0x38;
	[tilespmem:$0x1D500] =	vst v63  }
0x15e: {  	_ =	swait.ge [sflag:s15], $0x2800  }
0x15f: {  	[sflag:s15] =	ssyncset.done $0x0  }
0x160: {  	[sflag:s15] =	ssyncadd.s32 $0xFFFFD800  }
0x161: {  	[tilespmem:s3], [sflag:$0x1] =	stream.indirect.gather [spmem:s2], $0x80, s9, s4, $0xb8;
	[tilespmem:$0x1D500] =	vst v63  }
0x162: {  	_ =	swait.ge [sflag:s16], $0x2800  }
0x163: {  	[sflag:s16] =	ssyncset.done $0x0  }
0x164: {  	s19 =	rddreg [dreg:$0x13];
	[sflag:s16] =	ssyncadd.s32 $0xFFFFD800  }
0x165: {  	[hbm4b:s19+s20] =	stream.linear.scatter [tilespmem:s3], [sflag:$0x5], $0x2800, $0x38;
	[tilespmem:$0x1D500] =	vst v63  }
0x166: {  	_ =	swait.ge [sflag:s15], $0x2800  }
0x167: {  	[sflag:s15] =	ssyncset.done $0x0  }
0x168: {  	[sflag:s15] =	ssyncadd.s32 $0xFFFFD800  }
0x169: {  	[tilespmem:s3], [sflag:$0x1] =	stream.indirect.gather [spmem:s2], $0x80, s10, s4, $0xb8;
	[tilespmem:$0x1D500] =	vst v63  }
0x16a: {  	_ =	swait.ge [sflag:s16], $0x2800  }
0x16b: {  	[sflag:s16] =	ssyncset.done $0x0  }
0x16c: {  	s25 =	rddreg [dreg:$0x14];
	[sflag:s16] =	ssyncadd.s32 $0xFFFFD800  }
0x16d: {  	[hbm4b:s25+s20] =	stream.linear.scatter [tilespmem:s3], [sflag:$0x5], $0x2800, $0x38;
	[tilespmem:$0x1D500] =	vst v63  }
0x16e: {  	_ =	swait.ge [sflag:s15], $0x2800  }
0x16f: {  	[sflag:s15] =	ssyncset.done $0x0  }
0x170: {  	[sflag:s15] =	ssyncadd.s32 $0xFFFFD800  }
0x171: {  	[tilespmem:s3], [sflag:$0x1] =	stream.indirect.gather [spmem:s2], $0x80, s11, s4, $0xb8;
	[tilespmem:$0x1D500] =	vst v63  }
0x172: {  	_ =	swait.ge [sflag:s16], $0x2800  }
0x173: {  	[sflag:s16] =	ssyncset.done $0x0  }
0x174: {  	s26 =	rddreg [dreg:$0x15];
	[sflag:s16] =	ssyncadd.s32 $0xFFFFD800  }
0x175: {  	[hbm4b:s26+s20] =	stream.linear.scatter [tilespmem:s3], [sflag:$0x5], $0x2800, $0x38;
	[tilespmem:$0x1D500] =	vst v63  }
0x176: {  	_ =	swait.ge [sflag:s15], $0x2800  }
0x177: {  	s24 =	sadd.s32 $0x1, s24;
	s28 =	rddreg [dreg:$0x1a]  }
0x178: {  	p0 =	sne.s32 s24, s28  }
.Ltmp2:
0x179: {  	_ = 	snop;
	(pc) =	sbr.rel @p0 .LBB2_1-.Ltmp2, $3  }
0x17a: {  	_ =	sdelay $0x1  }
0x17b: {  	[sflag:s15] =	ssyncset.done $0x0  }
0x17c: {  	[sflag:s15] =	ssyncadd.s32 $0xFFFFD800  }
0x17d: {  	_ =	sfence.sel $0x180000  }
0x17e: {  	[bflag:$0x0] =	sbarrier.arrive $0xFFFF  }
0x17f: {  	_ =	strace $0x90000047  }
0x180: {  	s0 =	stileid.u32;
	[bflag:$0x2] =	sbarrier.arrive $0xFFFF  }
0x181: {  	p0 =	sne.s32 s0, $0x0;
	s0 =	rddreg [dreg:$0x4]  }
0x182: {  	s0 =	sadd.s32 @!p0 $0x100000, s0  }
0x183: {  	[sflag:s0] =	ssyncadd.tile.s32 @!p0 $0x1;
	_ =	shalt  }
.Lfunc_end2:
_tile_overlayer_lowered:
.L_overlay_start_2:
0x184: {  	(tag) =	ssettag $0x2  }
0x185: {  	s0 =	rddreg [dreg:$0x0];
	s2 =	stileid.u32  }
0x186: {  	s1 =	rddreg [dreg:$0x1];
	p0 =	sne.s32 s2, $0x0  }
0x187: {  	s3 =	rddreg [dreg:$0x2];
	[bflag:$0x3] =	sbarrier.arrive $0xFFFF;
	s2 =	simm.s32 @!p0 $0x1C05  }
0x188: {  	[timem:s3], [sflag:s2] =	dma.local @!p0 [hbm:s0], s1  }
0x189: {  	s0 =	simm.s32 @!p0 $0x5  }
0x18a: {  	_ =	swait.ge @!p0 [sflag:s0], s1  }
0x18b: {  	s1 =	ssub.s32 @!p0 $0x0, s1;
	[sflag:s0] =	ssyncset.done @!p0 $0x0  }
0x18c: {  	[sflag:s0] =	ssyncadd.s32 @!p0 s1  }
0x18d: {  	[bflag:$0x3] =	sbarrier.arrive $0xFFFF  }
0x18e: {  	_ =	shalt  }

</sc_bundles>
